<compile_context>
chip_gen: v7x
topology: tpu7x:2x2x1
jax: 0.10.2.dev20260603
libtpu: 0.0.44.dev20260713+nightly
codegen_flags: <defaults>
</compile_context>

<pallas_src>
import functools

import jax
import jax.numpy as jnp
from jax import lax
from jax.experimental import pallas as pl
from jax.experimental.pallas import tpu as pltpu
from jax.experimental.pallas import tpu_sc as plsc

_B = 16
_N = 207
_F = 4
_OUT = 256
_T = 12
_E = 6624
_NP = 256
_NR = 208
_EP = 7168
_TF = _T * _F
_R = _B * _NR

_NS = 16
_EPT = _EP // _NS
_AFLAT = _NP * _NP
_ASL = _AFLAT // _NS

def _bf(a):
    return a.astype(jnp.bfloat16)


@functools.partial(
    pl.kernel,
    mesh=plsc.VectorSubcoreMesh(core_axis_name="c", subcore_axis_name="s",
                                num_cores=1),
    out_type=jax.ShapeDtypeStruct((_AFLAT,), jnp.float32),
    scratch_types=[
        pltpu.VMEM((_EPT,), jnp.int32),
        pltpu.VMEM((_EPT,), jnp.int32),
        pltpu.VMEM((16,), jnp.float32),
        pltpu.VMEM_SHARED((_AFLAT,), jnp.float32),
    ],
)
def _edge_counts(src_hbm, dst_hbm, zero_hbm, a_out,
                 src_v, dst_v, val_v, a_sh):
    sid = lax.axis_index("s")
    base = sid * _EPT

    pltpu.sync_copy(src_hbm.at[pl.ds(base, _EPT)], src_v)
    pltpu.sync_copy(dst_hbm.at[pl.ds(base, _EPT)], dst_v)

    pltpu.sync_copy(zero_hbm.at[pl.ds(sid * _ASL, _ASL)],
                    a_sh.at[pl.ds(sid * _ASL, _ASL)])
    plsc.subcore_barrier()

    lane = lax.iota(jnp.int32, 16)
    for j in range(_EPT // 16):
        s16 = src_v[pl.ds(j * 16, 16)]
        d16 = dst_v[pl.ds(j * 16, 16)]
        f16 = d16 * _NP + s16
        pos = lane + (base + j * 16)
        val_v[...] = jnp.where(pos < _E + _N, 1.0, 0.0)
        pltpu.sync_copy(val_v, a_sh.at[f16], add=True)
    plsc.subcore_barrier()

    pltpu.sync_copy(a_sh.at[pl.ds(sid * _ASL, _ASL)],
                    a_out.at[pl.ds(sid * _ASL, _ASL)])


def _main_kernel(aparts_ref, xn_ref, att_ref,
                 wz_ref, wlz_ref, wh_ref, wlh_ref,
                 w1_ref, w3_ref, w4rep_ref, out_ref):
    f32 = jnp.float32

    A = aparts_ref[...]

    deg = jnp.sum(A, axis=1, keepdims=True)
    dinv = jnp.where(deg > 0, 1.0 / jnp.sqrt(deg), 0.0)
    S = A * dinv * jnp.reshape(dinv, (1, _NP))

    xbf = _bf(xn_ref[...])
    s_hi = _bf(S)
    s_md = _bf(S - s_hi.astype(f32))
    s_lo = _bf(S - s_hi.astype(f32) - s_md.astype(f32))
    P_all = (jnp.dot(s_hi, xbf, preferred_element_type=f32)
             + jnp.dot(s_md, xbf, preferred_element_type=f32)
             + jnp.dot(s_lo, xbf, preferred_element_type=f32))
    P = jnp.concatenate(
        [P_all[0:_NR, b * _TF:(b + 1) * _TF] for b in range(_B)],
        axis=0)
    p_hi = _bf(P)
    p_md = _bf(P - p_hi.astype(f32))
    p_lo = _bf(P - p_hi.astype(f32) - p_md.astype(f32))
    p_cat = jnp.concatenate(
        [p_part[:, t * _F:(t + 1) * _F]
         for t in range(_T) for p_part in (p_hi, p_md, p_lo)],
        axis=1)

    wzhb = jnp.concatenate([_bf(wz_ref[...]), _bf(wh_ref[...])],
                           axis=1)
    wzh3 = jnp.concatenate([wzhb, wzhb, wzhb], axis=0)
    aznb = _bf(-wlz_ref[0:_OUT, :]).astype(f32)
    ahb = _bf(wlh_ref[0:_OUT, :]).astype(f32)
    w1b = _bf(w1_ref[...])
    w3b = _bf(w3_ref[...])

    att = att_ref[...]
    e = jnp.exp(att - jnp.max(att, axis=1, keepdims=True))
    probs = e / jnp.sum(e, axis=1, keepdims=True)

    hacc = jnp.zeros((_R, _OUT), f32)
    for t in range(_T):
        gzh = jnp.dot(p_cat[:, t * 3 * _F:(t + 1) * 3 * _F], wzh3,
                      preferred_element_type=f32)
        azn = jnp.dot(gzh[:, 0:_OUT], aznb,
                      precision=jax.lax.Precision.DEFAULT,
                      preferred_element_type=f32)
        ah = jnp.dot(gzh[:, _OUT:2 * _OUT], ahb,
                     precision=jax.lax.Precision.DEFAULT,
                     preferred_element_type=f32)
        hn = jax.nn.sigmoid(azn) * jnp.tanh(ah)
        hacc = hacc + probs[:, t:t + 1] * hn

    h1 = jnp.dot(_bf(hacc), w1b, preferred_element_type=f32)
    h3 = jnp.dot(_bf(h1), w3b, preferred_element_type=f32)

    rows_b = jax.lax.broadcasted_iota(jnp.int32, (_B, _R), 0)
    cols_b = jax.lax.broadcasted_iota(jnp.int32, (_B, _R), 1) // _NR
    w4m = _bf(jnp.where(rows_b == cols_b,
                        jnp.broadcast_to(w4rep_ref[...], (_B, _R)), 0.0))
    outv = jnp.dot(w4m, _bf(h3), preferred_element_type=f32)
    out_ref[...] = jnp.maximum(outv, 0.0)


def kernel(x, edge_index, attention, W_z, b_z, Wl_z, bl_z, W_r, b_r, Wl_r,
           bl_r, W_h, b_h, Wl_h, bl_h, W1, b1, W3, b3, W4, b4):
    f32 = jnp.float32
    loop = jnp.arange(_N, dtype=jnp.int32)
    pad = jnp.zeros((_EP - _E - _N,), jnp.int32)
    src = jnp.concatenate([edge_index[0], loop, pad])
    dst = jnp.concatenate([edge_index[1], loop, pad])
    zeros_img = jnp.zeros((_AFLAT,), f32)

    aparts = _edge_counts(src, dst, zeros_img).reshape(_NP, _NP)

    xn = jnp.transpose(x, (1, 0, 3, 2)).reshape(_N, _B * _TF)
    xn = jnp.pad(xn, ((0, _NP - _N), (0, 0)))

    w4rep = jnp.tile(jnp.pad(W4[:, 0], (0, _NR - _N)), _B).reshape(1, _R)

    out = pl.pallas_call(
        _main_kernel,
        out_shape=jax.ShapeDtypeStruct((_B, 1), f32),
    )(aparts, xn, attention.reshape(1, _T),
      W_z, Wl_z, W_h, Wl_h, W1, W3, w4rep)
    return out.reshape(_B)

# --- scband reference (transcript-rebuilt; emitter-appended) ---
"""Pipeline reference for scband-a3-tgcn2-network-90305982366080 (READ-ONLY COPY).

The authoritative reference and input builder live on the scoring server;
editing this copy changes nothing except your own understanding.
"""

import jax, jax.numpy as jnp
import numpy as np

B = 16
N = 207
F_IN = 4
OUT = 256
PERIODS = 12
E = 6624

def _dense(k, fi, fo):
    return (jax.random.normal(k, (fi, fo), dtype=jnp.float32) / np.sqrt(fi)).astype(jnp.float32)

def setup_inputs(seed: int = 0):
    key = jax.random.key(seed)
    ks = jax.random.split(key, 20)
    inp = {}
    inp['x'] = jax.random.normal(ks[0], (B, N, F_IN, PERIODS), dtype=jnp.float32)
    inp['edge_index'] = jax.random.randint(ks[1], (2, E), 0, N, dtype=jnp.int32)
    inp['attention'] = jax.random.uniform(ks[2], (PERIODS,), dtype=jnp.float32)
    inp['W_z'] = _dense(ks[3], F_IN, OUT)
    inp['b_z'] = jnp.zeros((OUT,), jnp.float32)
    inp['Wl_z'] = _dense(ks[4], 2 * OUT, OUT)
    inp['bl_z'] = jnp.zeros((OUT,), jnp.float32)
    inp['W_r'] = _dense(ks[5], F_IN, OUT)
    inp['b_r'] = jnp.zeros((OUT,), jnp.float32)
    inp['Wl_r'] = _dense(ks[6], 2 * OUT, OUT)
    inp['bl_r'] = jnp.zeros((OUT,), jnp.float32)
    inp['W_h'] = _dense(ks[7], F_IN, OUT)
    inp['b_h'] = jnp.zeros((OUT,), jnp.float32)
    inp['Wl_h'] = _dense(ks[8], 2 * OUT, OUT)
    inp['bl_h'] = jnp.zeros((OUT,), jnp.float32)
    inp['W1'] = _dense(ks[9], OUT, 128)
    inp['b1'] = jnp.zeros((128,), jnp.float32)
    inp['W3'] = _dense(ks[10], 128, 1)
    inp['b3'] = jnp.zeros((1,), jnp.float32)
    inp['W4'] = _dense(ks[11], N, 1)
    inp['b4'] = jnp.zeros((1,), jnp.float32)
    return inp

def _gcn(X, W, b, src, dst, norm):
    XW = jnp.einsum('bnf,fo->bno', X, W)
    msg = jnp.transpose(XW[:, src, :], (1, 0, 2)) * norm[:, None, None]
    agg = jax.ops.segment_sum(msg, dst, num_segments=N)
    return jnp.transpose(agg, (1, 0, 2)) + b

def reference(x, edge_index, attention, W_z, b_z, Wl_z, bl_z, W_r, b_r, Wl_r, bl_r, W_h, b_h, Wl_h, bl_h, W1, b1, W3, b3, W4, b4):
    loop = jnp.arange(N, dtype=edge_index.dtype)
    src = jnp.concatenate([edge_index[0], loop])
    dst = jnp.concatenate([edge_index[1], loop])
    ew = jnp.ones(src.shape[0], jnp.float32)
    deg = jax.ops.segment_sum(ew, dst, num_segments=N)
    dinv = jnp.where(deg > 0, 1.0 / jnp.sqrt(deg), 0.0)
    norm = dinv[src] * ew * dinv[dst]
    probs = jax.nn.softmax(attention)
    H_accum = jnp.zeros((B, N, OUT), jnp.float32)
    for t in range(PERIODS):
        Xt = x[:, :, :, t]
        H = jnp.zeros((B, N, OUT), jnp.float32)
        Z = jax.nn.sigmoid(jnp.concatenate([_gcn(Xt, W_z, b_z, src, dst, norm), H], axis=2) @ Wl_z + bl_z)
        R = jax.nn.sigmoid(jnp.concatenate([_gcn(Xt, W_r, b_r, src, dst, norm), H], axis=2) @ Wl_r + bl_r)
        H_tilde = jnp.tanh(jnp.concatenate([_gcn(Xt, W_h, b_h, src, dst, norm), H * R], axis=2) @ Wl_h + bl_h)
        Hn = Z * H + (1.0 - Z) * H_tilde
        H_accum = H_accum + probs[t] * Hn
    h = H_accum @ W1 + b1
    h = h @ W3 + b3
    h = jnp.reshape(h, (-1, N))
    h = h @ W4 + b4
    h = jax.nn.relu(h)
    return jnp.reshape(h, (-1,))

if __name__ == "__main__":
    import jax
    _d = setup_inputs()
    print(jax.jit(kernel)(*tuple(_d.values())))

</pallas_src>

<mosaic_0001>
#map = affine_map<(d0, d1) -> (0)>
module attributes {stable_mosaic.version = 14 : i64} {
  func.func @_edge_counts(%arg0: i32, %arg1: i32, %arg2: memref<7168xi32, #tpu.memory_space<hbm>>, %arg3: memref<7168xi32, #tpu.memory_space<hbm>>, %arg4: memref<65536xf32, #tpu.memory_space<hbm>>, %arg5: memref<65536xf32, #tpu.memory_space<hbm>>, %arg6: memref<448xi32, #tpu.memory_space<vmem>>, %arg7: memref<448xi32, #tpu.memory_space<vmem>>, %arg8: memref<16xf32, #tpu.memory_space<vmem>>, %arg9: memref<65536xf32, #tpu.memory_space<vmem_shared>>) attributes {dimension_semantics = [#tpu.dimension_semantics<core_parallel>, #tpu.dimension_semantics<subcore_parallel>], iteration_bounds = array<i64: 1, 16>, scalar_prefetch = 0 : i64, scratch_operands = 4 : i64, tpu.core_type = #tpu.core_type<sc_vector_subcore>, window_params = [{transform_indices = #map}, {transform_indices = #map}, {transform_indices = #map}, {transform_indices = #map}]} {
    %mul3A = arith.constant 448 : i32
    %mul3A_0 = arith.muli %arg1, %mul3A : i32
    "tpu.region"() ({
      %run_scoped3A = tpu.sem_alloc : memref<!tpu.dma_semaphore, #tpu.memory_space<semaphore_mem>>
      %dma_start3A = tpu.memref_slice %arg2[%mul3A_0] : memref<7168xi32, #tpu.memory_space<hbm>> -> memref<448xi32, #tpu.memory_space<hbm>>
      %dma_start3A_731 = tpu.memref_slice %arg2[%mul3A_0] : memref<7168xi32, #tpu.memory_space<hbm>> -> memref<448xi32, #tpu.memory_space<hbm>>
      tpu.enqueue_dma source(%dma_start3A_731 : memref<448xi32, #tpu.memory_space<hbm>>) target(%arg6 : memref<448xi32, #tpu.memory_space<vmem>>) target_semaphore(%run_scoped3A : memref<!tpu.dma_semaphore, #tpu.memory_space<semaphore_mem>>)
      %dma_wait3A = tpu.memref_slice %arg2[%mul3A_0] : memref<7168xi32, #tpu.memory_space<hbm>> -> memref<448xi32, #tpu.memory_space<hbm>>
      %dma_wait3A_732 = tpu.memref_slice %arg2[%mul3A_0] : memref<7168xi32, #tpu.memory_space<hbm>> -> memref<448xi32, #tpu.memory_space<hbm>>
      tpu.wait_dma2 semaphore(%run_scoped3A : memref<!tpu.dma_semaphore, #tpu.memory_space<semaphore_mem>>) src(%dma_wait3A_732 : memref<448xi32, #tpu.memory_space<hbm>>) dst(%arg6 : memref<448xi32, #tpu.memory_space<vmem>>)
      tpu.yield
    }) : () -> ()
    "tpu.region"() ({
      %run_scoped3A = tpu.sem_alloc : memref<!tpu.dma_semaphore, #tpu.memory_space<semaphore_mem>>
      %dma_start3A = tpu.memref_slice %arg3[%mul3A_0] : memref<7168xi32, #tpu.memory_space<hbm>> -> memref<448xi32, #tpu.memory_space<hbm>>
      %dma_start3A_731 = tpu.memref_slice %arg3[%mul3A_0] : memref<7168xi32, #tpu.memory_space<hbm>> -> memref<448xi32, #tpu.memory_space<hbm>>
      tpu.enqueue_dma source(%dma_start3A_731 : memref<448xi32, #tpu.memory_space<hbm>>) target(%arg7 : memref<448xi32, #tpu.memory_space<vmem>>) target_semaphore(%run_scoped3A : memref<!tpu.dma_semaphore, #tpu.memory_space<semaphore_mem>>)
      %dma_wait3A = tpu.memref_slice %arg3[%mul3A_0] : memref<7168xi32, #tpu.memory_space<hbm>> -> memref<448xi32, #tpu.memory_space<hbm>>
      %dma_wait3A_732 = tpu.memref_slice %arg3[%mul3A_0] : memref<7168xi32, #tpu.memory_space<hbm>> -> memref<448xi32, #tpu.memory_space<hbm>>
      tpu.wait_dma2 semaphore(%run_scoped3A : memref<!tpu.dma_semaphore, #tpu.memory_space<semaphore_mem>>) src(%dma_wait3A_732 : memref<448xi32, #tpu.memory_space<hbm>>) dst(%arg7 : memref<448xi32, #tpu.memory_space<vmem>>)
      tpu.yield
    }) : () -> ()
    %mul3A_1 = arith.constant 4096 : i32
    %mul3A_2 = arith.muli %arg1, %mul3A_1 : i32
    %mul3A_3 = arith.constant 4096 : i32
    %mul3A_4 = arith.muli %arg1, %mul3A_3 : i32
    "tpu.region"() ({
      %run_scoped3A = tpu.sem_alloc : memref<!tpu.dma_semaphore, #tpu.memory_space<semaphore_mem>>
      %dma_start3A = tpu.memref_slice %arg9[%mul3A_4] : memref<65536xf32, #tpu.memory_space<vmem_shared>> -> memref<4096xf32, #tpu.memory_space<vmem_shared>>
      %dma_start3A_731 = tpu.memref_slice %arg4[%mul3A_2] : memref<65536xf32, #tpu.memory_space<hbm>> -> memref<4096xf32, #tpu.memory_space<hbm>>
      tpu.enqueue_dma source(%dma_start3A_731 : memref<4096xf32, #tpu.memory_space<hbm>>) target(%dma_start3A : memref<4096xf32, #tpu.memory_space<vmem_shared>>) target_semaphore(%run_scoped3A : memref<!tpu.dma_semaphore, #tpu.memory_space<semaphore_mem>>)
      %dma_wait3A = tpu.memref_slice %arg9[%mul3A_4] : memref<65536xf32, #tpu.memory_space<vmem_shared>> -> memref<4096xf32, #tpu.memory_space<vmem_shared>>
      %dma_wait3A_732 = tpu.memref_slice %arg4[%mul3A_2] : memref<65536xf32, #tpu.memory_space<hbm>> -> memref<4096xf32, #tpu.memory_space<hbm>>
      tpu.wait_dma2 semaphore(%run_scoped3A : memref<!tpu.dma_semaphore, #tpu.memory_space<semaphore_mem>>) src(%dma_wait3A_732 : memref<4096xf32, #tpu.memory_space<hbm>>) dst(%dma_wait3A : memref<4096xf32, #tpu.memory_space<vmem_shared>>)
      tpu.yield
    }) : () -> ()
    %barrier3A = arith.constant 0 : index
    tpu.barrier barrier_id(%barrier3A)
    %iota3A = tpu.iota {dimensions = array<i32: 0>} : vector<16xi32>
    %get3A = arith.constant 0 : index
    %get3A_5 = tpu.vector_load %arg6[%get3A] {strides = array<i32>} : memref<448xi32, #tpu.memory_space<vmem>>, vector<16xi32>,
    %get3A_6 = vector.shape_cast %get3A_5 : vector<16xi32> to vector<16xi32>
    %get3A_7 = arith.constant 0 : index
    %get3A_8 = tpu.vector_load %arg7[%get3A_7] {strides = array<i32>} : memref<448xi32, #tpu.memory_space<vmem>>, vector<16xi32>,
    %get3A_9 = vector.shape_cast %get3A_8 : vector<16xi32> to vector<16xi32>
    %mul3A_10 = arith.constant 256 : i32
    %mul3A_11 = vector.broadcast %mul3A_10 : i32 to vector<16xi32>
    %mul3A_12 = arith.muli %get3A_9, %mul3A_11 : vector<16xi32>
    %add3A = arith.addi %mul3A_12, %get3A_6 : vector<16xi32>
    %add3A_13 = arith.constant 0 : i32
    %add3A_14 = arith.addi %mul3A_0, %add3A_13 : i32
    %add3A_15 = vector.broadcast %add3A_14 : i32 to vector<16xi32>
    %add3A_16 = arith.addi %iota3A, %add3A_15 : vector<16xi32>
    %lt3A = arith.constant 6831 : i32
    %lt3A_17 = vector.broadcast %lt3A : i32 to vector<16xi32>
    %lt3A_18 = arith.cmpi slt, %add3A_16, %lt3A_17 : vector<16xi32>
    %jit3A = arith.constant 1.000000e+00 : f32
    %jit3A_19 = arith.constant 0.000000e+00 : f32
    %broadcast_in_dim3A = vector.broadcast %jit3A : f32 to vector<16xf32>
    %broadcast_in_dim3A_20 = vector.broadcast %jit3A_19 : f32 to vector<16xf32>
    %select_n3A = arith.select %lt3A_18, %broadcast_in_dim3A, %broadcast_in_dim3A_20 : vector<16xi1>, vector<16xf32>
    %swap3A = arith.constant 0 : index
    %swap3A_21 = tpu.vector_load %arg8[%swap3A] {strides = array<i32>} : memref<16xf32, #tpu.memory_space<vmem>>, vector<16xf32>,
    %swap3A_22 = vector.shape_cast %swap3A_21 : vector<16xf32> to vector<16xf32>
    %swap3A_23 = vector.shape_cast %select_n3A : vector<16xf32> to vector<16xf32>
    tpu.vector_store %arg8[%swap3A], %swap3A_23 {strides = array<i32>} : memref<16xf32, #tpu.memory_space<vmem>>, vector<16xf32>,
    "tpu.region"() ({
      %run_scoped3A = tpu.sem_alloc : memref<!tpu.dma_semaphore, #tpu.memory_space<semaphore_mem>>
      %dma_start3A = arith.constant 0 : i32
      %dma_start3A_731 = tpu.memref_slice %arg9[%dma_start3A] : memref<65536xf32, #tpu.memory_space<vmem_shared>> -> memref<65536xf32, #tpu.memory_space<vmem_shared>>
      tpu.enqueue_indirect_dma source(%arg8 : memref<16xf32, #tpu.memory_space<vmem>>) target(%dma_start3A_731 : memref<65536xf32, #tpu.memory_space<vmem_shared>>) offsets(%add3A : vector<16xi32>) semaphore(%run_scoped3A : memref<!tpu.dma_semaphore, #tpu.memory_space<semaphore_mem>>) {add = true}
      %dma_wait3A = arith.constant 0 : i32
      %dma_wait3A_732 = tpu.memref_slice %arg9[%dma_wait3A] : memref<65536xf32, #tpu.memory_space<vmem_shared>> -> memref<65536xf32, #tpu.memory_space<vmem_shared>>
      tpu.wait_indirect_dma semaphore(%run_scoped3A : memref<!tpu.dma_semaphore, #tpu.memory_space<semaphore_mem>>) src(%arg8 : memref<16xf32, #tpu.memory_space<vmem>>) dst(%dma_wait3A_732 : memref<65536xf32, #tpu.memory_space<vmem_shared>>)
      tpu.yield
    }) : () -> ()
    %get3A_24 = arith.constant 16 : index
    %get3A_25 = tpu.vector_load %arg6[%get3A_24] {strides = array<i32>} : memref<448xi32, #tpu.memory_space<vmem>>, vector<16xi32>,
    %get3A_26 = vector.shape_cast %get3A_25 : vector<16xi32> to vector<16xi32>
    %get3A_27 = arith.constant 16 : index
    %get3A_28 = tpu.vector_load %arg7[%get3A_27] {strides = array<i32>} : memref<448xi32, #tpu.memory_space<vmem>>, vector<16xi32>,
    %get3A_29 = vector.shape_cast %get3A_28 : vector<16xi32> to vector<16xi32>
    %mul3A_30 = arith.constant 256 : i32
    %mul3A_31 = vector.broadcast %mul3A_30 : i32 to vector<16xi32>
    %mul3A_32 = arith.muli %get3A_29, %mul3A_31 : vector<16xi32>
    %add3A_33 = arith.addi %mul3A_32, %get3A_26 : vector<16xi32>
    %add3A_34 = arith.constant 16 : i32
    %add3A_35 = arith.addi %mul3A_0, %add3A_34 : i32
    %add3A_36 = vector.broadcast %add3A_35 : i32 to vector<16xi32>
    %add3A_37 = arith.addi %iota3A, %add3A_36 : vector<16xi32>
    %lt3A_38 = arith.constant 6831 : i32
    %lt3A_39 = vector.broadcast %lt3A_38 : i32 to vector<16xi32>
    %lt3A_40 = arith.cmpi slt, %add3A_37, %lt3A_39 : vector<16xi32>
    %jit3A_41 = arith.constant 1.000000e+00 : f32
    %jit3A_42 = arith.constant 0.000000e+00 : f32
    %broadcast_in_dim3A_43 = vector.broadcast %jit3A_41 : f32 to vector<16xf32>
    %broadcast_in_dim3A_44 = vector.broadcast %jit3A_42 : f32 to vector<16xf32>
    %select_n3A_45 = arith.select %lt3A_40, %broadcast_in_dim3A_43, %broadcast_in_dim3A_44 : vector<16xi1>, vector<16xf32>
    %swap3A_46 = arith.constant 0 : index
    %swap3A_47 = tpu.vector_load %arg8[%swap3A_46] {strides = array<i32>} : memref<16xf32, #tpu.memory_space<vmem>>, vector<16xf32>,
    %swap3A_48 = vector.shape_cast %swap3A_47 : vector<16xf32> to vector<16xf32>
    %swap3A_49 = vector.shape_cast %select_n3A_45 : vector<16xf32> to vector<16xf32>
    tpu.vector_store %arg8[%swap3A_46], %swap3A_49 {strides = array<i32>} : memref<16xf32, #tpu.memory_space<vmem>>, vector<16xf32>,
    "tpu.region"() ({
      %run_scoped3A = tpu.sem_alloc : memref<!tpu.dma_semaphore, #tpu.memory_space<semaphore_mem>>
      %dma_start3A = arith.constant 0 : i32
      %dma_start3A_731 = tpu.memref_slice %arg9[%dma_start3A] : memref<65536xf32, #tpu.memory_space<vmem_shared>> -> memref<65536xf32, #tpu.memory_space<vmem_shared>>
      tpu.enqueue_indirect_dma source(%arg8 : memref<16xf32, #tpu.memory_space<vmem>>) target(%dma_start3A_731 : memref<65536xf32, #tpu.memory_space<vmem_shared>>) offsets(%add3A_33 : vector<16xi32>) semaphore(%run_scoped3A : memref<!tpu.dma_semaphore, #tpu.memory_space<semaphore_mem>>) {add = true}
      %dma_wait3A = arith.constant 0 : i32
      %dma_wait3A_732 = tpu.memref_slice %arg9[%dma_wait3A] : memref<65536xf32, #tpu.memory_space<vmem_shared>> -> memref<65536xf32, #tpu.memory_space<vmem_shared>>
      tpu.wait_indirect_dma semaphore(%run_scoped3A : memref<!tpu.dma_semaphore, #tpu.memory_space<semaphore_mem>>) src(%arg8 : memref<16xf32, #tpu.memory_space<vmem>>) dst(%dma_wait3A_732 : memref<65536xf32, #tpu.memory_space<vmem_shared>>)
      tpu.yield
    }) : () -> ()
    %get3A_50 = arith.constant 32 : index
    %get3A_51 = tpu.vector_load %arg6[%get3A_50] {strides = array<i32>} : memref<448xi32, #tpu.memory_space<vmem>>, vector<16xi32>,
    %get3A_52 = vector.shape_cast %get3A_51 : vector<16xi32> to vector<16xi32>
    %get3A_53 = arith.constant 32 : index
    %get3A_54 = tpu.vector_load %arg7[%get3A_53] {strides = array<i32>} : memref<448xi32, #tpu.memory_space<vmem>>, vector<16xi32>,
    %get3A_55 = vector.shape_cast %get3A_54 : vector<16xi32> to vector<16xi32>
    %mul3A_56 = arith.constant 256 : i32
    %mul3A_57 = vector.broadcast %mul3A_56 : i32 to vector<16xi32>
    %mul3A_58 = arith.muli %get3A_55, %mul3A_57 : vector<16xi32>
    %add3A_59 = arith.addi %mul3A_58, %get3A_52 : vector<16xi32>
    %add3A_60 = arith.constant 32 : i32
    %add3A_61 = arith.addi %mul3A_0, %add3A_60 : i32
    %add3A_62 = vector.broadcast %add3A_61 : i32 to vector<16xi32>
    %add3A_63 = arith.addi %iota3A, %add3A_62 : vector<16xi32>
    %lt3A_64 = arith.constant 6831 : i32
    %lt3A_65 = vector.broadcast %lt3A_64 : i32 to vector<16xi32>
    %lt3A_66 = arith.cmpi slt, %add3A_63, %lt3A_65 : vector<16xi32>
    %jit3A_67 = arith.constant 1.000000e+00 : f32
    %jit3A_68 = arith.constant 0.000000e+00 : f32
    %broadcast_in_dim3A_69 = vector.broadcast %jit3A_67 : f32 to vector<16xf32>
    %broadcast_in_dim3A_70 = vector.broadcast %jit3A_68 : f32 to vector<16xf32>
    %select_n3A_71 = arith.select %lt3A_66, %broadcast_in_dim3A_69, %broadcast_in_dim3A_70 : vector<16xi1>, vector<16xf32>
    %swap3A_72 = arith.constant 0 : index
    %swap3A_73 = tpu.vector_load %arg8[%swap3A_72] {strides = array<i32>} : memref<16xf32, #tpu.memory_space<vmem>>, vector<16xf32>,
    %swap3A_74 = vector.shape_cast %swap3A_73 : vector<16xf32> to vector<16xf32>
    %swap3A_75 = vector.shape_cast %select_n3A_71 : vector<16xf32> to vector<16xf32>
    tpu.vector_store %arg8[%swap3A_72], %swap3A_75 {strides = array<i32>} : memref<16xf32, #tpu.memory_space<vmem>>, vector<16xf32>,
    "tpu.region"() ({
      %run_scoped3A = tpu.sem_alloc : memref<!tpu.dma_semaphore, #tpu.memory_space<semaphore_mem>>
      %dma_start3A = arith.constant 0 : i32
      %dma_start3A_731 = tpu.memref_slice %arg9[%dma_start3A] : memref<65536xf32, #tpu.memory_space<vmem_shared>> -> memref<65536xf32, #tpu.memory_space<vmem_shared>>
      tpu.enqueue_indirect_dma source(%arg8 : memref<16xf32, #tpu.memory_space<vmem>>) target(%dma_start3A_731 : memref<65536xf32, #tpu.memory_space<vmem_shared>>) offsets(%add3A_59 : vector<16xi32>) semaphore(%run_scoped3A : memref<!tpu.dma_semaphore, #tpu.memory_space<semaphore_mem>>) {add = true}
      %dma_wait3A = arith.constant 0 : i32
      %dma_wait3A_732 = tpu.memref_slice %arg9[%dma_wait3A] : memref<65536xf32, #tpu.memory_space<vmem_shared>> -> memref<65536xf32, #tpu.memory_space<vmem_shared>>
      tpu.wait_indirect_dma semaphore(%run_scoped3A : memref<!tpu.dma_semaphore, #tpu.memory_space<semaphore_mem>>) src(%arg8 : memref<16xf32, #tpu.memory_space<vmem>>) dst(%dma_wait3A_732 : memref<65536xf32, #tpu.memory_space<vmem_shared>>)
      tpu.yield
    }) : () -> ()
    %get3A_76 = arith.constant 48 : index
    %get3A_77 = tpu.vector_load %arg6[%get3A_76] {strides = array<i32>} : memref<448xi32, #tpu.memory_space<vmem>>, vector<16xi32>,
    %get3A_78 = vector.shape_cast %get3A_77 : vector<16xi32> to vector<16xi32>
    %get3A_79 = arith.constant 48 : index
    %get3A_80 = tpu.vector_load %arg7[%get3A_79] {strides = array<i32>} : memref<448xi32, #tpu.memory_space<vmem>>, vector<16xi32>,
    %get3A_81 = vector.shape_cast %get3A_80 : vector<16xi32> to vector<16xi32>
    %mul3A_82 = arith.constant 256 : i32
    %mul3A_83 = vector.broadcast %mul3A_82 : i32 to vector<16xi32>
    %mul3A_84 = arith.muli %get3A_81, %mul3A_83 : vector<16xi32>
    %add3A_85 = arith.addi %mul3A_84, %get3A_78 : vector<16xi32>
    %add3A_86 = arith.constant 48 : i32
    %add3A_87 = arith.addi %mul3A_0, %add3A_86 : i32
    %add3A_88 = vector.broadcast %add3A_87 : i32 to vector<16xi32>
    %add3A_89 = arith.addi %iota3A, %add3A_88 : vector<16xi32>
    %lt3A_90 = arith.constant 6831 : i32
    %lt3A_91 = vector.broadcast %lt3A_90 : i32 to vector<16xi32>
    %lt3A_92 = arith.cmpi slt, %add3A_89, %lt3A_91 : vector<16xi32>
    %jit3A_93 = arith.constant 1.000000e+00 : f32
    %jit3A_94 = arith.constant 0.000000e+00 : f32
    %broadcast_in_dim3A_95 = vector.broadcast %jit3A_93 : f32 to vector<16xf32>
    %broadcast_in_dim3A_96 = vector.broadcast %jit3A_94 : f32 to vector<16xf32>
    %select_n3A_97 = arith.select %lt3A_92, %broadcast_in_dim3A_95, %broadcast_in_dim3A_96 : vector<16xi1>, vector<16xf32>
    %swap3A_98 = arith.constant 0 : index
    %swap3A_99 = tpu.vector_load %arg8[%swap3A_98] {strides = array<i32>} : memref<16xf32, #tpu.memory_space<vmem>>, vector<16xf32>,
    %swap3A_100 = vector.shape_cast %swap3A_99 : vector<16xf32> to vector<16xf32>
    %swap3A_101 = vector.shape_cast %select_n3A_97 : vector<16xf32> to vector<16xf32>
    tpu.vector_store %arg8[%swap3A_98], %swap3A_101 {strides = array<i32>} : memref<16xf32, #tpu.memory_space<vmem>>, vector<16xf32>,
    "tpu.region"() ({
      %run_scoped3A = tpu.sem_alloc : memref<!tpu.dma_semaphore, #tpu.memory_space<semaphore_mem>>
      %dma_start3A = arith.constant 0 : i32
      %dma_start3A_731 = tpu.memref_slice %arg9[%dma_start3A] : memref<65536xf32, #tpu.memory_space<vmem_shared>> -> memref<65536xf32, #tpu.memory_space<vmem_shared>>
      tpu.enqueue_indirect_dma source(%arg8 : memref<16xf32, #tpu.memory_space<vmem>>) target(%dma_start3A_731 : memref<65536xf32, #tpu.memory_space<vmem_shared>>) offsets(%add3A_85 : vector<16xi32>) semaphore(%run_scoped3A : memref<!tpu.dma_semaphore, #tpu.memory_space<semaphore_mem>>) {add = true}
      %dma_wait3A = arith.constant 0 : i32
      %dma_wait3A_732 = tpu.memref_slice %arg9[%dma_wait3A] : memref<65536xf32, #tpu.memory_space<vmem_shared>> -> memref<65536xf32, #tpu.memory_space<vmem_shared>>
      tpu.wait_indirect_dma semaphore(%run_scoped3A : memref<!tpu.dma_semaphore, #tpu.memory_space<semaphore_mem>>) src(%arg8 : memref<16xf32, #tpu.memory_space<vmem>>) dst(%dma_wait3A_732 : memref<65536xf32, #tpu.memory_space<vmem_shared>>)
      tpu.yield
    }) : () -> ()
    %get3A_102 = arith.constant 64 : index
    %get3A_103 = tpu.vector_load %arg6[%get3A_102] {strides = array<i32>} : memref<448xi32, #tpu.memory_space<vmem>>, vector<16xi32>,
    %get3A_104 = vector.shape_cast %get3A_103 : vector<16xi32> to vector<16xi32>
    %get3A_105 = arith.constant 64 : index
    %get3A_106 = tpu.vector_load %arg7[%get3A_105] {strides = array<i32>} : memref<448xi32, #tpu.memory_space<vmem>>, vector<16xi32>,
    %get3A_107 = vector.shape_cast %get3A_106 : vector<16xi32> to vector<16xi32>
    %mul3A_108 = arith.constant 256 : i32
    %mul3A_109 = vector.broadcast %mul3A_108 : i32 to vector<16xi32>
    %mul3A_110 = arith.muli %get3A_107, %mul3A_109 : vector<16xi32>
    %add3A_111 = arith.addi %mul3A_110, %get3A_104 : vector<16xi32>
    %add3A_112 = arith.constant 64 : i32
    %add3A_113 = arith.addi %mul3A_0, %add3A_112 : i32
    %add3A_114 = vector.broadcast %add3A_113 : i32 to vector<16xi32>
    %add3A_115 = arith.addi %iota3A, %add3A_114 : vector<16xi32>
    %lt3A_116 = arith.constant 6831 : i32
    %lt3A_117 = vector.broadcast %lt3A_116 : i32 to vector<16xi32>
    %lt3A_118 = arith.cmpi slt, %add3A_115, %lt3A_117 : vector<16xi32>
    %jit3A_119 = arith.constant 1.000000e+00 : f32
    %jit3A_120 = arith.constant 0.000000e+00 : f32
    %broadcast_in_dim3A_121 = vector.broadcast %jit3A_119 : f32 to vector<16xf32>
    %broadcast_in_dim3A_122 = vector.broadcast %jit3A_120 : f32 to vector<16xf32>
    %select_n3A_123 = arith.select %lt3A_118, %broadcast_in_dim3A_121, %broadcast_in_dim3A_122 : vector<16xi1>, vector<16xf32>
    %swap3A_124 = arith.constant 0 : index
    %swap3A_125 = tpu.vector_load %arg8[%swap3A_124] {strides = array<i32>} : memref<16xf32, #tpu.memory_space<vmem>>, vector<16xf32>,
    %swap3A_126 = vector.shape_cast %swap3A_125 : vector<16xf32> to vector<16xf32>
    %swap3A_127 = vector.shape_cast %select_n3A_123 : vector<16xf32> to vector<16xf32>
    tpu.vector_store %arg8[%swap3A_124], %swap3A_127 {strides = array<i32>} : memref<16xf32, #tpu.memory_space<vmem>>, vector<16xf32>,
    "tpu.region"() ({
      %run_scoped3A = tpu.sem_alloc : memref<!tpu.dma_semaphore, #tpu.memory_space<semaphore_mem>>
      %dma_start3A = arith.constant 0 : i32
      %dma_start3A_731 = tpu.memref_slice %arg9[%dma_start3A] : memref<65536xf32, #tpu.memory_space<vmem_shared>> -> memref<65536xf32, #tpu.memory_space<vmem_shared>>
      tpu.enqueue_indirect_dma source(%arg8 : memref<16xf32, #tpu.memory_space<vmem>>) target(%dma_start3A_731 : memref<65536xf32, #tpu.memory_space<vmem_shared>>) offsets(%add3A_111 : vector<16xi32>) semaphore(%run_scoped3A : memref<!tpu.dma_semaphore, #tpu.memory_space<semaphore_mem>>) {add = true}
      %dma_wait3A = arith.constant 0 : i32
      %dma_wait3A_732 = tpu.memref_slice %arg9[%dma_wait3A] : memref<65536xf32, #tpu.memory_space<vmem_shared>> -> memref<65536xf32, #tpu.memory_space<vmem_shared>>
      tpu.wait_indirect_dma semaphore(%run_scoped3A : memref<!tpu.dma_semaphore, #tpu.memory_space<semaphore_mem>>) src(%arg8 : memref<16xf32, #tpu.memory_space<vmem>>) dst(%dma_wait3A_732 : memref<65536xf32, #tpu.memory_space<vmem_shared>>)
      tpu.yield
    }) : () -> ()
    %get3A_128 = arith.constant 80 : index
    %get3A_129 = tpu.vector_load %arg6[%get3A_128] {strides = array<i32>} : memref<448xi32, #tpu.memory_space<vmem>>, vector<16xi32>,
    %get3A_130 = vector.shape_cast %get3A_129 : vector<16xi32> to vector<16xi32>
    %get3A_131 = arith.constant 80 : index
    %get3A_132 = tpu.vector_load %arg7[%get3A_131] {strides = array<i32>} : memref<448xi32, #tpu.memory_space<vmem>>, vector<16xi32>,
    %get3A_133 = vector.shape_cast %get3A_132 : vector<16xi32> to vector<16xi32>
    %mul3A_134 = arith.constant 256 : i32
    %mul3A_135 = vector.broadcast %mul3A_134 : i32 to vector<16xi32>
    %mul3A_136 = arith.muli %get3A_133, %mul3A_135 : vector<16xi32>
    %add3A_137 = arith.addi %mul3A_136, %get3A_130 : vector<16xi32>
    %add3A_138 = arith.constant 80 : i32
    %add3A_139 = arith.addi %mul3A_0, %add3A_138 : i32
    %add3A_140 = vector.broadcast %add3A_139 : i32 to vector<16xi32>
    %add3A_141 = arith.addi %iota3A, %add3A_140 : vector<16xi32>
    %lt3A_142 = arith.constant 6831 : i32
    %lt3A_143 = vector.broadcast %lt3A_142 : i32 to vector<16xi32>
    %lt3A_144 = arith.cmpi slt, %add3A_141, %lt3A_143 : vector<16xi32>
    %jit3A_145 = arith.constant 1.000000e+00 : f32
    %jit3A_146 = arith.constant 0.000000e+00 : f32
    %broadcast_in_dim3A_147 = vector.broadcast %jit3A_145 : f32 to vector<16xf32>
    %broadcast_in_dim3A_148 = vector.broadcast %jit3A_146 : f32 to vector<16xf32>
    %select_n3A_149 = arith.select %lt3A_144, %broadcast_in_dim3A_147, %broadcast_in_dim3A_148 : vector<16xi1>, vector<16xf32>
    %swap3A_150 = arith.constant 0 : index
    %swap3A_151 = tpu.vector_load %arg8[%swap3A_150] {strides = array<i32>} : memref<16xf32, #tpu.memory_space<vmem>>, vector<16xf32>,
    %swap3A_152 = vector.shape_cast %swap3A_151 : vector<16xf32> to vector<16xf32>
    %swap3A_153 = vector.shape_cast %select_n3A_149 : vector<16xf32> to vector<16xf32>
    tpu.vector_store %arg8[%swap3A_150], %swap3A_153 {strides = array<i32>} : memref<16xf32, #tpu.memory_space<vmem>>, vector<16xf32>,
    "tpu.region"() ({
      %run_scoped3A = tpu.sem_alloc : memref<!tpu.dma_semaphore, #tpu.memory_space<semaphore_mem>>
      %dma_start3A = arith.constant 0 : i32
      %dma_start3A_731 = tpu.memref_slice %arg9[%dma_start3A] : memref<65536xf32, #tpu.memory_space<vmem_shared>> -> memref<65536xf32, #tpu.memory_space<vmem_shared>>
      tpu.enqueue_indirect_dma source(%arg8 : memref<16xf32, #tpu.memory_space<vmem>>) target(%dma_start3A_731 : memref<65536xf32, #tpu.memory_space<vmem_shared>>) offsets(%add3A_137 : vector<16xi32>) semaphore(%run_scoped3A : memref<!tpu.dma_semaphore, #tpu.memory_space<semaphore_mem>>) {add = true}
      %dma_wait3A = arith.constant 0 : i32
      %dma_wait3A_732 = tpu.memref_slice %arg9[%dma_wait3A] : memref<65536xf32, #tpu.memory_space<vmem_shared>> -> memref<65536xf32, #tpu.memory_space<vmem_shared>>
      tpu.wait_indirect_dma semaphore(%run_scoped3A : memref<!tpu.dma_semaphore, #tpu.memory_space<semaphore_mem>>) src(%arg8 : memref<16xf32, #tpu.memory_space<vmem>>) dst(%dma_wait3A_732 : memref<65536xf32, #tpu.memory_space<vmem_shared>>)
      tpu.yield
    }) : () -> ()
    %get3A_154 = arith.constant 96 : index
    %get3A_155 = tpu.vector_load %arg6[%get3A_154] {strides = array<i32>} : memref<448xi32, #tpu.memory_space<vmem>>, vector<16xi32>,
    %get3A_156 = vector.shape_cast %get3A_155 : vector<16xi32> to vector<16xi32>
    %get3A_157 = arith.constant 96 : index
    %get3A_158 = tpu.vector_load %arg7[%get3A_157] {strides = array<i32>} : memref<448xi32, #tpu.memory_space<vmem>>, vector<16xi32>,
    %get3A_159 = vector.shape_cast %get3A_158 : vector<16xi32> to vector<16xi32>
    %mul3A_160 = arith.constant 256 : i32
    %mul3A_161 = vector.broadcast %mul3A_160 : i32 to vector<16xi32>
    %mul3A_162 = arith.muli %get3A_159, %mul3A_161 : vector<16xi32>
    %add3A_163 = arith.addi %mul3A_162, %get3A_156 : vector<16xi32>
    %add3A_164 = arith.constant 96 : i32
    %add3A_165 = arith.addi %mul3A_0, %add3A_164 : i32
    %add3A_166 = vector.broadcast %add3A_165 : i32 to vector<16xi32>
    %add3A_167 = arith.addi %iota3A, %add3A_166 : vector<16xi32>
    %lt3A_168 = arith.constant 6831 : i32
    %lt3A_169 = vector.broadcast %lt3A_168 : i32 to vector<16xi32>
    %lt3A_170 = arith.cmpi slt, %add3A_167, %lt3A_169 : vector<16xi32>
    %jit3A_171 = arith.constant 1.000000e+00 : f32
    %jit3A_172 = arith.constant 0.000000e+00 : f32
    %broadcast_in_dim3A_173 = vector.broadcast %jit3A_171 : f32 to vector<16xf32>
    %broadcast_in_dim3A_174 = vector.broadcast %jit3A_172 : f32 to vector<16xf32>
    %select_n3A_175 = arith.select %lt3A_170, %broadcast_in_dim3A_173, %broadcast_in_dim3A_174 : vector<16xi1>, vector<16xf32>
    %swap3A_176 = arith.constant 0 : index
    %swap3A_177 = tpu.vector_load %arg8[%swap3A_176] {strides = array<i32>} : memref<16xf32, #tpu.memory_space<vmem>>, vector<16xf32>,
    %swap3A_178 = vector.shape_cast %swap3A_177 : vector<16xf32> to vector<16xf32>
    %swap3A_179 = vector.shape_cast %select_n3A_175 : vector<16xf32> to vector<16xf32>
    tpu.vector_store %arg8[%swap3A_176], %swap3A_179 {strides = array<i32>} : memref<16xf32, #tpu.memory_space<vmem>>, vector<16xf32>,
    "tpu.region"() ({
      %run_scoped3A = tpu.sem_alloc : memref<!tpu.dma_semaphore, #tpu.memory_space<semaphore_mem>>
      %dma_start3A = arith.constant 0 : i32
      %dma_start3A_731 = tpu.memref_slice %arg9[%dma_start3A] : memref<65536xf32, #tpu.memory_space<vmem_shared>> -> memref<65536xf32, #tpu.memory_space<vmem_shared>>
      tpu.enqueue_indirect_dma source(%arg8 : memref<16xf32, #tpu.memory_space<vmem>>) target(%dma_start3A_731 : memref<65536xf32, #tpu.memory_space<vmem_shared>>) offsets(%add3A_163 : vector<16xi32>) semaphore(%run_scoped3A : memref<!tpu.dma_semaphore, #tpu.memory_space<semaphore_mem>>) {add = true}
      %dma_wait3A = arith.constant 0 : i32
      %dma_wait3A_732 = tpu.memref_slice %arg9[%dma_wait3A] : memref<65536xf32, #tpu.memory_space<vmem_shared>> -> memref<65536xf32, #tpu.memory_space<vmem_shared>>
      tpu.wait_indirect_dma semaphore(%run_scoped3A : memref<!tpu.dma_semaphore, #tpu.memory_space<semaphore_mem>>) src(%arg8 : memref<16xf32, #tpu.memory_space<vmem>>) dst(%dma_wait3A_732 : memref<65536xf32, #tpu.memory_space<vmem_shared>>)
      tpu.yield
    }) : () -> ()
    %get3A_180 = arith.constant 112 : index
    %get3A_181 = tpu.vector_load %arg6[%get3A_180] {strides = array<i32>} : memref<448xi32, #tpu.memory_space<vmem>>, vector<16xi32>,
    %get3A_182 = vector.shape_cast %get3A_181 : vector<16xi32> to vector<16xi32>
    %get3A_183 = arith.constant 112 : index
    %get3A_184 = tpu.vector_load %arg7[%get3A_183] {strides = array<i32>} : memref<448xi32, #tpu.memory_space<vmem>>, vector<16xi32>,
    %get3A_185 = vector.shape_cast %get3A_184 : vector<16xi32> to vector<16xi32>
    %mul3A_186 = arith.constant 256 : i32
    %mul3A_187 = vector.broadcast %mul3A_186 : i32 to vector<16xi32>
    %mul3A_188 = arith.muli %get3A_185, %mul3A_187 : vector<16xi32>
    %add3A_189 = arith.addi %mul3A_188, %get3A_182 : vector<16xi32>
    %add3A_190 = arith.constant 112 : i32
    %add3A_191 = arith.addi %mul3A_0, %add3A_190 : i32
    %add3A_192 = vector.broadcast %add3A_191 : i32 to vector<16xi32>
    %add3A_193 = arith.addi %iota3A, %add3A_192 : vector<16xi32>
    %lt3A_194 = arith.constant 6831 : i32
    %lt3A_195 = vector.broadcast %lt3A_194 : i32 to vector<16xi32>
    %lt3A_196 = arith.cmpi slt, %add3A_193, %lt3A_195 : vector<16xi32>
    %jit3A_197 = arith.constant 1.000000e+00 : f32
    %jit3A_198 = arith.constant 0.000000e+00 : f32
    %broadcast_in_dim3A_199 = vector.broadcast %jit3A_197 : f32 to vector<16xf32>
    %broadcast_in_dim3A_200 = vector.broadcast %jit3A_198 : f32 to vector<16xf32>
    %select_n3A_201 = arith.select %lt3A_196, %broadcast_in_dim3A_199, %broadcast_in_dim3A_200 : vector<16xi1>, vector<16xf32>
    %swap3A_202 = arith.constant 0 : index
    %swap3A_203 = tpu.vector_load %arg8[%swap3A_202] {strides = array<i32>} : memref<16xf32, #tpu.memory_space<vmem>>, vector<16xf32>,
    %swap3A_204 = vector.shape_cast %swap3A_203 : vector<16xf32> to vector<16xf32>
    %swap3A_205 = vector.shape_cast %select_n3A_201 : vector<16xf32> to vector<16xf32>
    tpu.vector_store %arg8[%swap3A_202], %swap3A_205 {strides = array<i32>} : memref<16xf32, #tpu.memory_space<vmem>>, vector<16xf32>,
    "tpu.region"() ({
      %run_scoped3A = tpu.sem_alloc : memref<!tpu.dma_semaphore, #tpu.memory_space<semaphore_mem>>
      %dma_start3A = arith.constant 0 : i32
      %dma_start3A_731 = tpu.memref_slice %arg9[%dma_start3A] : memref<65536xf32, #tpu.memory_space<vmem_shared>> -> memref<65536xf32, #tpu.memory_space<vmem_shared>>
      tpu.enqueue_indirect_dma source(%arg8 : memref<16xf32, #tpu.memory_space<vmem>>) target(%dma_start3A_731 : memref<65536xf32, #tpu.memory_space<vmem_shared>>) offsets(%add3A_189 : vector<16xi32>) semaphore(%run_scoped3A : memref<!tpu.dma_semaphore, #tpu.memory_space<semaphore_mem>>) {add = true}
      %dma_wait3A = arith.constant 0 : i32
      %dma_wait3A_732 = tpu.memref_slice %arg9[%dma_wait3A] : memref<65536xf32, #tpu.memory_space<vmem_shared>> -> memref<65536xf32, #tpu.memory_space<vmem_shared>>
      tpu.wait_indirect_dma semaphore(%run_scoped3A : memref<!tpu.dma_semaphore, #tpu.memory_space<semaphore_mem>>) src(%arg8 : memref<16xf32, #tpu.memory_space<vmem>>) dst(%dma_wait3A_732 : memref<65536xf32, #tpu.memory_space<vmem_shared>>)
      tpu.yield
    }) : () -> ()
    %get3A_206 = arith.constant 128 : index
    %get3A_207 = tpu.vector_load %arg6[%get3A_206] {strides = array<i32>} : memref<448xi32, #tpu.memory_space<vmem>>, vector<16xi32>,
    %get3A_208 = vector.shape_cast %get3A_207 : vector<16xi32> to vector<16xi32>
    %get3A_209 = arith.constant 128 : index
    %get3A_210 = tpu.vector_load %arg7[%get3A_209] {strides = array<i32>} : memref<448xi32, #tpu.memory_space<vmem>>, vector<16xi32>,
    %get3A_211 = vector.shape_cast %get3A_210 : vector<16xi32> to vector<16xi32>
    %mul3A_212 = arith.constant 256 : i32
    %mul3A_213 = vector.broadcast %mul3A_212 : i32 to vector<16xi32>
    %mul3A_214 = arith.muli %get3A_211, %mul3A_213 : vector<16xi32>
    %add3A_215 = arith.addi %mul3A_214, %get3A_208 : vector<16xi32>
    %add3A_216 = arith.constant 128 : i32
    %add3A_217 = arith.addi %mul3A_0, %add3A_216 : i32
    %add3A_218 = vector.broadcast %add3A_217 : i32 to vector<16xi32>
    %add3A_219 = arith.addi %iota3A, %add3A_218 : vector<16xi32>
    %lt3A_220 = arith.constant 6831 : i32
    %lt3A_221 = vector.broadcast %lt3A_220 : i32 to vector<16xi32>
    %lt3A_222 = arith.cmpi slt, %add3A_219, %lt3A_221 : vector<16xi32>
    %jit3A_223 = arith.constant 1.000000e+00 : f32
    %jit3A_224 = arith.constant 0.000000e+00 : f32
    %broadcast_in_dim3A_225 = vector.broadcast %jit3A_223 : f32 to vector<16xf32>
    %broadcast_in_dim3A_226 = vector.broadcast %jit3A_224 : f32 to vector<16xf32>
    %select_n3A_227 = arith.select %lt3A_222, %broadcast_in_dim3A_225, %broadcast_in_dim3A_226 : vector<16xi1>, vector<16xf32>
    %swap3A_228 = arith.constant 0 : index
    %swap3A_229 = tpu.vector_load %arg8[%swap3A_228] {strides = array<i32>} : memref<16xf32, #tpu.memory_space<vmem>>, vector<16xf32>,
    %swap3A_230 = vector.shape_cast %swap3A_229 : vector<16xf32> to vector<16xf32>
    %swap3A_231 = vector.shape_cast %select_n3A_227 : vector<16xf32> to vector<16xf32>
    tpu.vector_store %arg8[%swap3A_228], %swap3A_231 {strides = array<i32>} : memref<16xf32, #tpu.memory_space<vmem>>, vector<16xf32>,
    "tpu.region"() ({
      %run_scoped3A = tpu.sem_alloc : memref<!tpu.dma_semaphore, #tpu.memory_space<semaphore_mem>>
      %dma_start3A = arith.constant 0 : i32
      %dma_start3A_731 = tpu.memref_slice %arg9[%dma_start3A] : memref<65536xf32, #tpu.memory_space<vmem_shared>> -> memref<65536xf32, #tpu.memory_space<vmem_shared>>
      tpu.enqueue_indirect_dma source(%arg8 : memref<16xf32, #tpu.memory_space<vmem>>) target(%dma_start3A_731 : memref<65536xf32, #tpu.memory_space<vmem_shared>>) offsets(%add3A_215 : vector<16xi32>) semaphore(%run_scoped3A : memref<!tpu.dma_semaphore, #tpu.memory_space<semaphore_mem>>) {add = true}
      %dma_wait3A = arith.constant 0 : i32
      %dma_wait3A_732 = tpu.memref_slice %arg9[%dma_wait3A] : memref<65536xf32, #tpu.memory_space<vmem_shared>> -> memref<65536xf32, #tpu.memory_space<vmem_shared>>
      tpu.wait_indirect_dma semaphore(%run_scoped3A : memref<!tpu.dma_semaphore, #tpu.memory_space<semaphore_mem>>) src(%arg8 : memref<16xf32, #tpu.memory_space<vmem>>) dst(%dma_wait3A_732 : memref<65536xf32, #tpu.memory_space<vmem_shared>>)
      tpu.yield
    }) : () -> ()
    %get3A_232 = arith.constant 144 : index
    %get3A_233 = tpu.vector_load %arg6[%get3A_232] {strides = array<i32>} : memref<448xi32, #tpu.memory_space<vmem>>, vector<16xi32>,
    %get3A_234 = vector.shape_cast %get3A_233 : vector<16xi32> to vector<16xi32>
    %get3A_235 = arith.constant 144 : index
    %get3A_236 = tpu.vector_load %arg7[%get3A_235] {strides = array<i32>} : memref<448xi32, #tpu.memory_space<vmem>>, vector<16xi32>,
    %get3A_237 = vector.shape_cast %get3A_236 : vector<16xi32> to vector<16xi32>
    %mul3A_238 = arith.constant 256 : i32
    %mul3A_239 = vector.broadcast %mul3A_238 : i32 to vector<16xi32>
    %mul3A_240 = arith.muli %get3A_237, %mul3A_239 : vector<16xi32>
    %add3A_241 = arith.addi %mul3A_240, %get3A_234 : vector<16xi32>
    %add3A_242 = arith.constant 144 : i32
    %add3A_243 = arith.addi %mul3A_0, %add3A_242 : i32
    %add3A_244 = vector.broadcast %add3A_243 : i32 to vector<16xi32>
    %add3A_245 = arith.addi %iota3A, %add3A_244 : vector<16xi32>
    %lt3A_246 = arith.constant 6831 : i32
    %lt3A_247 = vector.broadcast %lt3A_246 : i32 to vector<16xi32>
    %lt3A_248 = arith.cmpi slt, %add3A_245, %lt3A_247 : vector<16xi32>
    %jit3A_249 = arith.constant 1.000000e+00 : f32
    %jit3A_250 = arith.constant 0.000000e+00 : f32
    %broadcast_in_dim3A_251 = vector.broadcast %jit3A_249 : f32 to vector<16xf32>
    %broadcast_in_dim3A_252 = vector.broadcast %jit3A_250 : f32 to vector<16xf32>
    %select_n3A_253 = arith.select %lt3A_248, %broadcast_in_dim3A_251, %broadcast_in_dim3A_252 : vector<16xi1>, vector<16xf32>
    %swap3A_254 = arith.constant 0 : index
    %swap3A_255 = tpu.vector_load %arg8[%swap3A_254] {strides = array<i32>} : memref<16xf32, #tpu.memory_space<vmem>>, vector<16xf32>,
    %swap3A_256 = vector.shape_cast %swap3A_255 : vector<16xf32> to vector<16xf32>
    %swap3A_257 = vector.shape_cast %select_n3A_253 : vector<16xf32> to vector<16xf32>
    tpu.vector_store %arg8[%swap3A_254], %swap3A_257 {strides = array<i32>} : memref<16xf32, #tpu.memory_space<vmem>>, vector<16xf32>,
    "tpu.region"() ({
      %run_scoped3A = tpu.sem_alloc : memref<!tpu.dma_semaphore, #tpu.memory_space<semaphore_mem>>
      %dma_start3A = arith.constant 0 : i32
      %dma_start3A_731 = tpu.memref_slice %arg9[%dma_start3A] : memref<65536xf32, #tpu.memory_space<vmem_shared>> -> memref<65536xf32, #tpu.memory_space<vmem_shared>>
      tpu.enqueue_indirect_dma source(%arg8 : memref<16xf32, #tpu.memory_space<vmem>>) target(%dma_start3A_731 : memref<65536xf32, #tpu.memory_space<vmem_shared>>) offsets(%add3A_241 : vector<16xi32>) semaphore(%run_scoped3A : memref<!tpu.dma_semaphore, #tpu.memory_space<semaphore_mem>>) {add = true}
      %dma_wait3A = arith.constant 0 : i32
      %dma_wait3A_732 = tpu.memref_slice %arg9[%dma_wait3A] : memref<65536xf32, #tpu.memory_space<vmem_shared>> -> memref<65536xf32, #tpu.memory_space<vmem_shared>>
      tpu.wait_indirect_dma semaphore(%run_scoped3A : memref<!tpu.dma_semaphore, #tpu.memory_space<semaphore_mem>>) src(%arg8 : memref<16xf32, #tpu.memory_space<vmem>>) dst(%dma_wait3A_732 : memref<65536xf32, #tpu.memory_space<vmem_shared>>)
      tpu.yield
    }) : () -> ()
    %get3A_258 = arith.constant 160 : index
    %get3A_259 = tpu.vector_load %arg6[%get3A_258] {strides = array<i32>} : memref<448xi32, #tpu.memory_space<vmem>>, vector<16xi32>,
    %get3A_260 = vector.shape_cast %get3A_259 : vector<16xi32> to vector<16xi32>
    %get3A_261 = arith.constant 160 : index
    %get3A_262 = tpu.vector_load %arg7[%get3A_261] {strides = array<i32>} : memref<448xi32, #tpu.memory_space<vmem>>, vector<16xi32>,
    %get3A_263 = vector.shape_cast %get3A_262 : vector<16xi32> to vector<16xi32>
    %mul3A_264 = arith.constant 256 : i32
    %mul3A_265 = vector.broadcast %mul3A_264 : i32 to vector<16xi32>
    %mul3A_266 = arith.muli %get3A_263, %mul3A_265 : vector<16xi32>
    %add3A_267 = arith.addi %mul3A_266, %get3A_260 : vector<16xi32>
    %add3A_268 = arith.constant 160 : i32
    %add3A_269 = arith.addi %mul3A_0, %add3A_268 : i32
    %add3A_270 = vector.broadcast %add3A_269 : i32 to vector<16xi32>
    %add3A_271 = arith.addi %iota3A, %add3A_270 : vector<16xi32>
    %lt3A_272 = arith.constant 6831 : i32
    %lt3A_273 = vector.broadcast %lt3A_272 : i32 to vector<16xi32>
    %lt3A_274 = arith.cmpi slt, %add3A_271, %lt3A_273 : vector<16xi32>
    %jit3A_275 = arith.constant 1.000000e+00 : f32
    %jit3A_276 = arith.constant 0.000000e+00 : f32
    %broadcast_in_dim3A_277 = vector.broadcast %jit3A_275 : f32 to vector<16xf32>
    %broadcast_in_dim3A_278 = vector.broadcast %jit3A_276 : f32 to vector<16xf32>
    %select_n3A_279 = arith.select %lt3A_274, %broadcast_in_dim3A_277, %broadcast_in_dim3A_278 : vector<16xi1>, vector<16xf32>
    %swap3A_280 = arith.constant 0 : index
    %swap3A_281 = tpu.vector_load %arg8[%swap3A_280] {strides = array<i32>} : memref<16xf32, #tpu.memory_space<vmem>>, vector<16xf32>,
    %swap3A_282 = vector.shape_cast %swap3A_281 : vector<16xf32> to vector<16xf32>
    %swap3A_283 = vector.shape_cast %select_n3A_279 : vector<16xf32> to vector<16xf32>
    tpu.vector_store %arg8[%swap3A_280], %swap3A_283 {strides = array<i32>} : memref<16xf32, #tpu.memory_space<vmem>>, vector<16xf32>,
    "tpu.region"() ({
      %run_scoped3A = tpu.sem_alloc : memref<!tpu.dma_semaphore, #tpu.memory_space<semaphore_mem>>
      %dma_start3A = arith.constant 0 : i32
      %dma_start3A_731 = tpu.memref_slice %arg9[%dma_start3A] : memref<65536xf32, #tpu.memory_space<vmem_shared>> -> memref<65536xf32, #tpu.memory_space<vmem_shared>>
      tpu.enqueue_indirect_dma source(%arg8 : memref<16xf32, #tpu.memory_space<vmem>>) target(%dma_start3A_731 : memref<65536xf32, #tpu.memory_space<vmem_shared>>) offsets(%add3A_267 : vector<16xi32>) semaphore(%run_scoped3A : memref<!tpu.dma_semaphore, #tpu.memory_space<semaphore_mem>>) {add = true}
      %dma_wait3A = arith.constant 0 : i32
      %dma_wait3A_732 = tpu.memref_slice %arg9[%dma_wait3A] : memref<65536xf32, #tpu.memory_space<vmem_shared>> -> memref<65536xf32, #tpu.memory_space<vmem_shared>>
      tpu.wait_indirect_dma semaphore(%run_scoped3A : memref<!tpu.dma_semaphore, #tpu.memory_space<semaphore_mem>>) src(%arg8 : memref<16xf32, #tpu.memory_space<vmem>>) dst(%dma_wait3A_732 : memref<65536xf32, #tpu.memory_space<vmem_shared>>)
      tpu.yield
    }) : () -> ()
    %get3A_284 = arith.constant 176 : index
    %get3A_285 = tpu.vector_load %arg6[%get3A_284] {strides = array<i32>} : memref<448xi32, #tpu.memory_space<vmem>>, vector<16xi32>,
    %get3A_286 = vector.shape_cast %get3A_285 : vector<16xi32> to vector<16xi32>
    %get3A_287 = arith.constant 176 : index
    %get3A_288 = tpu.vector_load %arg7[%get3A_287] {strides = array<i32>} : memref<448xi32, #tpu.memory_space<vmem>>, vector<16xi32>,
    %get3A_289 = vector.shape_cast %get3A_288 : vector<16xi32> to vector<16xi32>
    %mul3A_290 = arith.constant 256 : i32
    %mul3A_291 = vector.broadcast %mul3A_290 : i32 to vector<16xi32>
    %mul3A_292 = arith.muli %get3A_289, %mul3A_291 : vector<16xi32>
    %add3A_293 = arith.addi %mul3A_292, %get3A_286 : vector<16xi32>
    %add3A_294 = arith.constant 176 : i32
    %add3A_295 = arith.addi %mul3A_0, %add3A_294 : i32
    %add3A_296 = vector.broadcast %add3A_295 : i32 to vector<16xi32>
    %add3A_297 = arith.addi %iota3A, %add3A_296 : vector<16xi32>
    %lt3A_298 = arith.constant 6831 : i32
    %lt3A_299 = vector.broadcast %lt3A_298 : i32 to vector<16xi32>
    %lt3A_300 = arith.cmpi slt, %add3A_297, %lt3A_299 : vector<16xi32>
    %jit3A_301 = arith.constant 1.000000e+00 : f32
    %jit3A_302 = arith.constant 0.000000e+00 : f32
    %broadcast_in_dim3A_303 = vector.broadcast %jit3A_301 : f32 to vector<16xf32>
    %broadcast_in_dim3A_304 = vector.broadcast %jit3A_302 : f32 to vector<16xf32>
    %select_n3A_305 = arith.select %lt3A_300, %broadcast_in_dim3A_303, %broadcast_in_dim3A_304 : vector<16xi1>, vector<16xf32>
    %swap3A_306 = arith.constant 0 : index
    %swap3A_307 = tpu.vector_load %arg8[%swap3A_306] {strides = array<i32>} : memref<16xf32, #tpu.memory_space<vmem>>, vector<16xf32>,
    %swap3A_308 = vector.shape_cast %swap3A_307 : vector<16xf32> to vector<16xf32>
    %swap3A_309 = vector.shape_cast %select_n3A_305 : vector<16xf32> to vector<16xf32>
    tpu.vector_store %arg8[%swap3A_306], %swap3A_309 {strides = array<i32>} : memref<16xf32, #tpu.memory_space<vmem>>, vector<16xf32>,
    "tpu.region"() ({
      %run_scoped3A = tpu.sem_alloc : memref<!tpu.dma_semaphore, #tpu.memory_space<semaphore_mem>>
      %dma_start3A = arith.constant 0 : i32
      %dma_start3A_731 = tpu.memref_slice %arg9[%dma_start3A] : memref<65536xf32, #tpu.memory_space<vmem_shared>> -> memref<65536xf32, #tpu.memory_space<vmem_shared>>
      tpu.enqueue_indirect_dma source(%arg8 : memref<16xf32, #tpu.memory_space<vmem>>) target(%dma_start3A_731 : memref<65536xf32, #tpu.memory_space<vmem_shared>>) offsets(%add3A_293 : vector<16xi32>) semaphore(%run_scoped3A : memref<!tpu.dma_semaphore, #tpu.memory_space<semaphore_mem>>) {add = true}
      %dma_wait3A = arith.constant 0 : i32
      %dma_wait3A_732 = tpu.memref_slice %arg9[%dma_wait3A] : memref<65536xf32, #tpu.memory_space<vmem_shared>> -> memref<65536xf32, #tpu.memory_space<vmem_shared>>
      tpu.wait_indirect_dma semaphore(%run_scoped3A : memref<!tpu.dma_semaphore, #tpu.memory_space<semaphore_mem>>) src(%arg8 : memref<16xf32, #tpu.memory_space<vmem>>) dst(%dma_wait3A_732 : memref<65536xf32, #tpu.memory_space<vmem_shared>>)
      tpu.yield
    }) : () -> ()
    %get3A_310 = arith.constant 192 : index
    %get3A_311 = tpu.vector_load %arg6[%get3A_310] {strides = array<i32>} : memref<448xi32, #tpu.memory_space<vmem>>, vector<16xi32>,
    %get3A_312 = vector.shape_cast %get3A_311 : vector<16xi32> to vector<16xi32>
    %get3A_313 = arith.constant 192 : index
    %get3A_314 = tpu.vector_load %arg7[%get3A_313] {strides = array<i32>} : memref<448xi32, #tpu.memory_space<vmem>>, vector<16xi32>,
    %get3A_315 = vector.shape_cast %get3A_314 : vector<16xi32> to vector<16xi32>
    %mul3A_316 = arith.constant 256 : i32
    %mul3A_317 = vector.broadcast %mul3A_316 : i32 to vector<16xi32>
    %mul3A_318 = arith.muli %get3A_315, %mul3A_317 : vector<16xi32>
    %add3A_319 = arith.addi %mul3A_318, %get3A_312 : vector<16xi32>
    %add3A_320 = arith.constant 192 : i32
    %add3A_321 = arith.addi %mul3A_0, %add3A_320 : i32
    %add3A_322 = vector.broadcast %add3A_321 : i32 to vector<16xi32>
    %add3A_323 = arith.addi %iota3A, %add3A_322 : vector<16xi32>
    %lt3A_324 = arith.constant 6831 : i32
    %lt3A_325 = vector.broadcast %lt3A_324 : i32 to vector<16xi32>
    %lt3A_326 = arith.cmpi slt, %add3A_323, %lt3A_325 : vector<16xi32>
    %jit3A_327 = arith.constant 1.000000e+00 : f32
    %jit3A_328 = arith.constant 0.000000e+00 : f32
    %broadcast_in_dim3A_329 = vector.broadcast %jit3A_327 : f32 to vector<16xf32>
    %broadcast_in_dim3A_330 = vector.broadcast %jit3A_328 : f32 to vector<16xf32>
    %select_n3A_331 = arith.select %lt3A_326, %broadcast_in_dim3A_329, %broadcast_in_dim3A_330 : vector<16xi1>, vector<16xf32>
    %swap3A_332 = arith.constant 0 : index
    %swap3A_333 = tpu.vector_load %arg8[%swap3A_332] {strides = array<i32>} : memref<16xf32, #tpu.memory_space<vmem>>, vector<16xf32>,
    %swap3A_334 = vector.shape_cast %swap3A_333 : vector<16xf32> to vector<16xf32>
    %swap3A_335 = vector.shape_cast %select_n3A_331 : vector<16xf32> to vector<16xf32>
    tpu.vector_store %arg8[%swap3A_332], %swap3A_335 {strides = array<i32>} : memref<16xf32, #tpu.memory_space<vmem>>, vector<16xf32>,
    "tpu.region"() ({
      %run_scoped3A = tpu.sem_alloc : memref<!tpu.dma_semaphore, #tpu.memory_space<semaphore_mem>>
      %dma_start3A = arith.constant 0 : i32
      %dma_start3A_731 = tpu.memref_slice %arg9[%dma_start3A] : memref<65536xf32, #tpu.memory_space<vmem_shared>> -> memref<65536xf32, #tpu.memory_space<vmem_shared>>
      tpu.enqueue_indirect_dma source(%arg8 : memref<16xf32, #tpu.memory_space<vmem>>) target(%dma_start3A_731 : memref<65536xf32, #tpu.memory_space<vmem_shared>>) offsets(%add3A_319 : vector<16xi32>) semaphore(%run_scoped3A : memref<!tpu.dma_semaphore, #tpu.memory_space<semaphore_mem>>) {add = true}
      %dma_wait3A = arith.constant 0 : i32
      %dma_wait3A_732 = tpu.memref_slice %arg9[%dma_wait3A] : memref<65536xf32, #tpu.memory_space<vmem_shared>> -> memref<65536xf32, #tpu.memory_space<vmem_shared>>
      tpu.wait_indirect_dma semaphore(%run_scoped3A : memref<!tpu.dma_semaphore, #tpu.memory_space<semaphore_mem>>) src(%arg8 : memref<16xf32, #tpu.memory_space<vmem>>) dst(%dma_wait3A_732 : memref<65536xf32, #tpu.memory_space<vmem_shared>>)
      tpu.yield
    }) : () -> ()
    %get3A_336 = arith.constant 208 : index
    %get3A_337 = tpu.vector_load %arg6[%get3A_336] {strides = array<i32>} : memref<448xi32, #tpu.memory_space<vmem>>, vector<16xi32>,
    %get3A_338 = vector.shape_cast %get3A_337 : vector<16xi32> to vector<16xi32>
    %get3A_339 = arith.constant 208 : index
    %get3A_340 = tpu.vector_load %arg7[%get3A_339] {strides = array<i32>} : memref<448xi32, #tpu.memory_space<vmem>>, vector<16xi32>,
    %get3A_341 = vector.shape_cast %get3A_340 : vector<16xi32> to vector<16xi32>
    %mul3A_342 = arith.constant 256 : i32
    %mul3A_343 = vector.broadcast %mul3A_342 : i32 to vector<16xi32>
    %mul3A_344 = arith.muli %get3A_341, %mul3A_343 : vector<16xi32>
    %add3A_345 = arith.addi %mul3A_344, %get3A_338 : vector<16xi32>
    %add3A_346 = arith.constant 208 : i32
    %add3A_347 = arith.addi %mul3A_0, %add3A_346 : i32
    %add3A_348 = vector.broadcast %add3A_347 : i32 to vector<16xi32>
    %add3A_349 = arith.addi %iota3A, %add3A_348 : vector<16xi32>
    %lt3A_350 = arith.constant 6831 : i32
    %lt3A_351 = vector.broadcast %lt3A_350 : i32 to vector<16xi32>
    %lt3A_352 = arith.cmpi slt, %add3A_349, %lt3A_351 : vector<16xi32>
    %jit3A_353 = arith.constant 1.000000e+00 : f32
    %jit3A_354 = arith.constant 0.000000e+00 : f32
    %broadcast_in_dim3A_355 = vector.broadcast %jit3A_353 : f32 to vector<16xf32>
    %broadcast_in_dim3A_356 = vector.broadcast %jit3A_354 : f32 to vector<16xf32>
    %select_n3A_357 = arith.select %lt3A_352, %broadcast_in_dim3A_355, %broadcast_in_dim3A_356 : vector<16xi1>, vector<16xf32>
    %swap3A_358 = arith.constant 0 : index
    %swap3A_359 = tpu.vector_load %arg8[%swap3A_358] {strides = array<i32>} : memref<16xf32, #tpu.memory_space<vmem>>, vector<16xf32>,
    %swap3A_360 = vector.shape_cast %swap3A_359 : vector<16xf32> to vector<16xf32>
    %swap3A_361 = vector.shape_cast %select_n3A_357 : vector<16xf32> to vector<16xf32>
    tpu.vector_store %arg8[%swap3A_358], %swap3A_361 {strides = array<i32>} : memref<16xf32, #tpu.memory_space<vmem>>, vector<16xf32>,
    "tpu.region"() ({
      %run_scoped3A = tpu.sem_alloc : memref<!tpu.dma_semaphore, #tpu.memory_space<semaphore_mem>>
      %dma_start3A = arith.constant 0 : i32
      %dma_start3A_731 = tpu.memref_slice %arg9[%dma_start3A] : memref<65536xf32, #tpu.memory_space<vmem_shared>> -> memref<65536xf32, #tpu.memory_space<vmem_shared>>
      tpu.enqueue_indirect_dma source(%arg8 : memref<16xf32, #tpu.memory_space<vmem>>) target(%dma_start3A_731 : memref<65536xf32, #tpu.memory_space<vmem_shared>>) offsets(%add3A_345 : vector<16xi32>) semaphore(%run_scoped3A : memref<!tpu.dma_semaphore, #tpu.memory_space<semaphore_mem>>) {add = true}
      %dma_wait3A = arith.constant 0 : i32
      %dma_wait3A_732 = tpu.memref_slice %arg9[%dma_wait3A] : memref<65536xf32, #tpu.memory_space<vmem_shared>> -> memref<65536xf32, #tpu.memory_space<vmem_shared>>
      tpu.wait_indirect_dma semaphore(%run_scoped3A : memref<!tpu.dma_semaphore, #tpu.memory_space<semaphore_mem>>) src(%arg8 : memref<16xf32, #tpu.memory_space<vmem>>) dst(%dma_wait3A_732 : memref<65536xf32, #tpu.memory_space<vmem_shared>>)
      tpu.yield
    }) : () -> ()
    %get3A_362 = arith.constant 224 : index
    %get3A_363 = tpu.vector_load %arg6[%get3A_362] {strides = array<i32>} : memref<448xi32, #tpu.memory_space<vmem>>, vector<16xi32>,
    %get3A_364 = vector.shape_cast %get3A_363 : vector<16xi32> to vector<16xi32>
    %get3A_365 = arith.constant 224 : index
    %get3A_366 = tpu.vector_load %arg7[%get3A_365] {strides = array<i32>} : memref<448xi32, #tpu.memory_space<vmem>>, vector<16xi32>,
    %get3A_367 = vector.shape_cast %get3A_366 : vector<16xi32> to vector<16xi32>
    %mul3A_368 = arith.constant 256 : i32
    %mul3A_369 = vector.broadcast %mul3A_368 : i32 to vector<16xi32>
    %mul3A_370 = arith.muli %get3A_367, %mul3A_369 : vector<16xi32>
    %add3A_371 = arith.addi %mul3A_370, %get3A_364 : vector<16xi32>
    %add3A_372 = arith.constant 224 : i32
    %add3A_373 = arith.addi %mul3A_0, %add3A_372 : i32
    %add3A_374 = vector.broadcast %add3A_373 : i32 to vector<16xi32>
    %add3A_375 = arith.addi %iota3A, %add3A_374 : vector<16xi32>
    %lt3A_376 = arith.constant 6831 : i32
    %lt3A_377 = vector.broadcast %lt3A_376 : i32 to vector<16xi32>
    %lt3A_378 = arith.cmpi slt, %add3A_375, %lt3A_377 : vector<16xi32>
    %jit3A_379 = arith.constant 1.000000e+00 : f32
    %jit3A_380 = arith.constant 0.000000e+00 : f32
    %broadcast_in_dim3A_381 = vector.broadcast %jit3A_379 : f32 to vector<16xf32>
    %broadcast_in_dim3A_382 = vector.broadcast %jit3A_380 : f32 to vector<16xf32>
    %select_n3A_383 = arith.select %lt3A_378, %broadcast_in_dim3A_381, %broadcast_in_dim3A_382 : vector<16xi1>, vector<16xf32>
    %swap3A_384 = arith.constant 0 : index
    %swap3A_385 = tpu.vector_load %arg8[%swap3A_384] {strides = array<i32>} : memref<16xf32, #tpu.memory_space<vmem>>, vector<16xf32>,
    %swap3A_386 = vector.shape_cast %swap3A_385 : vector<16xf32> to vector<16xf32>
    %swap3A_387 = vector.shape_cast %select_n3A_383 : vector<16xf32> to vector<16xf32>
    tpu.vector_store %arg8[%swap3A_384], %swap3A_387 {strides = array<i32>} : memref<16xf32, #tpu.memory_space<vmem>>, vector<16xf32>,
    "tpu.region"() ({
      %run_scoped3A = tpu.sem_alloc : memref<!tpu.dma_semaphore, #tpu.memory_space<semaphore_mem>>
      %dma_start3A = arith.constant 0 : i32
      %dma_start3A_731 = tpu.memref_slice %arg9[%dma_start3A] : memref<65536xf32, #tpu.memory_space<vmem_shared>> -> memref<65536xf32, #tpu.memory_space<vmem_shared>>
      tpu.enqueue_indirect_dma source(%arg8 : memref<16xf32, #tpu.memory_space<vmem>>) target(%dma_start3A_731 : memref<65536xf32, #tpu.memory_space<vmem_shared>>) offsets(%add3A_371 : vector<16xi32>) semaphore(%run_scoped3A : memref<!tpu.dma_semaphore, #tpu.memory_space<semaphore_mem>>) {add = true}
      %dma_wait3A = arith.constant 0 : i32
      %dma_wait3A_732 = tpu.memref_slice %arg9[%dma_wait3A] : memref<65536xf32, #tpu.memory_space<vmem_shared>> -> memref<65536xf32, #tpu.memory_space<vmem_shared>>
      tpu.wait_indirect_dma semaphore(%run_scoped3A : memref<!tpu.dma_semaphore, #tpu.memory_space<semaphore_mem>>) src(%arg8 : memref<16xf32, #tpu.memory_space<vmem>>) dst(%dma_wait3A_732 : memref<65536xf32, #tpu.memory_space<vmem_shared>>)
      tpu.yield
    }) : () -> ()
    %get3A_388 = arith.constant 240 : index
    %get3A_389 = tpu.vector_load %arg6[%get3A_388] {strides = array<i32>} : memref<448xi32, #tpu.memory_space<vmem>>, vector<16xi32>,
    %get3A_390 = vector.shape_cast %get3A_389 : vector<16xi32> to vector<16xi32>
    %get3A_391 = arith.constant 240 : index
    %get3A_392 = tpu.vector_load %arg7[%get3A_391] {strides = array<i32>} : memref<448xi32, #tpu.memory_space<vmem>>, vector<16xi32>,
    %get3A_393 = vector.shape_cast %get3A_392 : vector<16xi32> to vector<16xi32>
    %mul3A_394 = arith.constant 256 : i32
    %mul3A_395 = vector.broadcast %mul3A_394 : i32 to vector<16xi32>
    %mul3A_396 = arith.muli %get3A_393, %mul3A_395 : vector<16xi32>
    %add3A_397 = arith.addi %mul3A_396, %get3A_390 : vector<16xi32>
    %add3A_398 = arith.constant 240 : i32
    %add3A_399 = arith.addi %mul3A_0, %add3A_398 : i32
    %add3A_400 = vector.broadcast %add3A_399 : i32 to vector<16xi32>
    %add3A_401 = arith.addi %iota3A, %add3A_400 : vector<16xi32>
    %lt3A_402 = arith.constant 6831 : i32
    %lt3A_403 = vector.broadcast %lt3A_402 : i32 to vector<16xi32>
    %lt3A_404 = arith.cmpi slt, %add3A_401, %lt3A_403 : vector<16xi32>
    %jit3A_405 = arith.constant 1.000000e+00 : f32
    %jit3A_406 = arith.constant 0.000000e+00 : f32
    %broadcast_in_dim3A_407 = vector.broadcast %jit3A_405 : f32 to vector<16xf32>
    %broadcast_in_dim3A_408 = vector.broadcast %jit3A_406 : f32 to vector<16xf32>
    %select_n3A_409 = arith.select %lt3A_404, %broadcast_in_dim3A_407, %broadcast_in_dim3A_408 : vector<16xi1>, vector<16xf32>
    %swap3A_410 = arith.constant 0 : index
    %swap3A_411 = tpu.vector_load %arg8[%swap3A_410] {strides = array<i32>} : memref<16xf32, #tpu.memory_space<vmem>>, vector<16xf32>,
    %swap3A_412 = vector.shape_cast %swap3A_411 : vector<16xf32> to vector<16xf32>
    %swap3A_413 = vector.shape_cast %select_n3A_409 : vector<16xf32> to vector<16xf32>
    tpu.vector_store %arg8[%swap3A_410], %swap3A_413 {strides = array<i32>} : memref<16xf32, #tpu.memory_space<vmem>>, vector<16xf32>,
    "tpu.region"() ({
      %run_scoped3A = tpu.sem_alloc : memref<!tpu.dma_semaphore, #tpu.memory_space<semaphore_mem>>
      %dma_start3A = arith.constant 0 : i32
      %dma_start3A_731 = tpu.memref_slice %arg9[%dma_start3A] : memref<65536xf32, #tpu.memory_space<vmem_shared>> -> memref<65536xf32, #tpu.memory_space<vmem_shared>>
      tpu.enqueue_indirect_dma source(%arg8 : memref<16xf32, #tpu.memory_space<vmem>>) target(%dma_start3A_731 : memref<65536xf32, #tpu.memory_space<vmem_shared>>) offsets(%add3A_397 : vector<16xi32>) semaphore(%run_scoped3A : memref<!tpu.dma_semaphore, #tpu.memory_space<semaphore_mem>>) {add = true}
      %dma_wait3A = arith.constant 0 : i32
      %dma_wait3A_732 = tpu.memref_slice %arg9[%dma_wait3A] : memref<65536xf32, #tpu.memory_space<vmem_shared>> -> memref<65536xf32, #tpu.memory_space<vmem_shared>>
      tpu.wait_indirect_dma semaphore(%run_scoped3A : memref<!tpu.dma_semaphore, #tpu.memory_space<semaphore_mem>>) src(%arg8 : memref<16xf32, #tpu.memory_space<vmem>>) dst(%dma_wait3A_732 : memref<65536xf32, #tpu.memory_space<vmem_shared>>)
      tpu.yield
    }) : () -> ()
    %get3A_414 = arith.constant 256 : index
    %get3A_415 = tpu.vector_load %arg6[%get3A_414] {strides = array<i32>} : memref<448xi32, #tpu.memory_space<vmem>>, vector<16xi32>,
    %get3A_416 = vector.shape_cast %get3A_415 : vector<16xi32> to vector<16xi32>
    %get3A_417 = arith.constant 256 : index
    %get3A_418 = tpu.vector_load %arg7[%get3A_417] {strides = array<i32>} : memref<448xi32, #tpu.memory_space<vmem>>, vector<16xi32>,
    %get3A_419 = vector.shape_cast %get3A_418 : vector<16xi32> to vector<16xi32>
    %mul3A_420 = arith.constant 256 : i32
    %mul3A_421 = vector.broadcast %mul3A_420 : i32 to vector<16xi32>
    %mul3A_422 = arith.muli %get3A_419, %mul3A_421 : vector<16xi32>
    %add3A_423 = arith.addi %mul3A_422, %get3A_416 : vector<16xi32>
    %add3A_424 = arith.constant 256 : i32
    %add3A_425 = arith.addi %mul3A_0, %add3A_424 : i32
    %add3A_426 = vector.broadcast %add3A_425 : i32 to vector<16xi32>
    %add3A_427 = arith.addi %iota3A, %add3A_426 : vector<16xi32>
    %lt3A_428 = arith.constant 6831 : i32
    %lt3A_429 = vector.broadcast %lt3A_428 : i32 to vector<16xi32>
    %lt3A_430 = arith.cmpi slt, %add3A_427, %lt3A_429 : vector<16xi32>
    %jit3A_431 = arith.constant 1.000000e+00 : f32
    %jit3A_432 = arith.constant 0.000000e+00 : f32
    %broadcast_in_dim3A_433 = vector.broadcast %jit3A_431 : f32 to vector<16xf32>
    %broadcast_in_dim3A_434 = vector.broadcast %jit3A_432 : f32 to vector<16xf32>
    %select_n3A_435 = arith.select %lt3A_430, %broadcast_in_dim3A_433, %broadcast_in_dim3A_434 : vector<16xi1>, vector<16xf32>
    %swap3A_436 = arith.constant 0 : index
    %swap3A_437 = tpu.vector_load %arg8[%swap3A_436] {strides = array<i32>} : memref<16xf32, #tpu.memory_space<vmem>>, vector<16xf32>,
    %swap3A_438 = vector.shape_cast %swap3A_437 : vector<16xf32> to vector<16xf32>
    %swap3A_439 = vector.shape_cast %select_n3A_435 : vector<16xf32> to vector<16xf32>
    tpu.vector_store %arg8[%swap3A_436], %swap3A_439 {strides = array<i32>} : memref<16xf32, #tpu.memory_space<vmem>>, vector<16xf32>,
    "tpu.region"() ({
      %run_scoped3A = tpu.sem_alloc : memref<!tpu.dma_semaphore, #tpu.memory_space<semaphore_mem>>
      %dma_start3A = arith.constant 0 : i32
      %dma_start3A_731 = tpu.memref_slice %arg9[%dma_start3A] : memref<65536xf32, #tpu.memory_space<vmem_shared>> -> memref<65536xf32, #tpu.memory_space<vmem_shared>>
      tpu.enqueue_indirect_dma source(%arg8 : memref<16xf32, #tpu.memory_space<vmem>>) target(%dma_start3A_731 : memref<65536xf32, #tpu.memory_space<vmem_shared>>) offsets(%add3A_423 : vector<16xi32>) semaphore(%run_scoped3A : memref<!tpu.dma_semaphore, #tpu.memory_space<semaphore_mem>>) {add = true}
      %dma_wait3A = arith.constant 0 : i32
      %dma_wait3A_732 = tpu.memref_slice %arg9[%dma_wait3A] : memref<65536xf32, #tpu.memory_space<vmem_shared>> -> memref<65536xf32, #tpu.memory_space<vmem_shared>>
      tpu.wait_indirect_dma semaphore(%run_scoped3A : memref<!tpu.dma_semaphore, #tpu.memory_space<semaphore_mem>>) src(%arg8 : memref<16xf32, #tpu.memory_space<vmem>>) dst(%dma_wait3A_732 : memref<65536xf32, #tpu.memory_space<vmem_shared>>)
      tpu.yield
    }) : () -> ()
    %get3A_440 = arith.constant 272 : index
    %get3A_441 = tpu.vector_load %arg6[%get3A_440] {strides = array<i32>} : memref<448xi32, #tpu.memory_space<vmem>>, vector<16xi32>,
    %get3A_442 = vector.shape_cast %get3A_441 : vector<16xi32> to vector<16xi32>
    %get3A_443 = arith.constant 272 : index
    %get3A_444 = tpu.vector_load %arg7[%get3A_443] {strides = array<i32>} : memref<448xi32, #tpu.memory_space<vmem>>, vector<16xi32>,
    %get3A_445 = vector.shape_cast %get3A_444 : vector<16xi32> to vector<16xi32>
    %mul3A_446 = arith.constant 256 : i32
    %mul3A_447 = vector.broadcast %mul3A_446 : i32 to vector<16xi32>
    %mul3A_448 = arith.muli %get3A_445, %mul3A_447 : vector<16xi32>
    %add3A_449 = arith.addi %mul3A_448, %get3A_442 : vector<16xi32>
    %add3A_450 = arith.constant 272 : i32
    %add3A_451 = arith.addi %mul3A_0, %add3A_450 : i32
    %add3A_452 = vector.broadcast %add3A_451 : i32 to vector<16xi32>
    %add3A_453 = arith.addi %iota3A, %add3A_452 : vector<16xi32>
    %lt3A_454 = arith.constant 6831 : i32
    %lt3A_455 = vector.broadcast %lt3A_454 : i32 to vector<16xi32>
    %lt3A_456 = arith.cmpi slt, %add3A_453, %lt3A_455 : vector<16xi32>
    %jit3A_457 = arith.constant 1.000000e+00 : f32
    %jit3A_458 = arith.constant 0.000000e+00 : f32
    %broadcast_in_dim3A_459 = vector.broadcast %jit3A_457 : f32 to vector<16xf32>
    %broadcast_in_dim3A_460 = vector.broadcast %jit3A_458 : f32 to vector<16xf32>
    %select_n3A_461 = arith.select %lt3A_456, %broadcast_in_dim3A_459, %broadcast_in_dim3A_460 : vector<16xi1>, vector<16xf32>
    %swap3A_462 = arith.constant 0 : index
    %swap3A_463 = tpu.vector_load %arg8[%swap3A_462] {strides = array<i32>} : memref<16xf32, #tpu.memory_space<vmem>>, vector<16xf32>,
    %swap3A_464 = vector.shape_cast %swap3A_463 : vector<16xf32> to vector<16xf32>
    %swap3A_465 = vector.shape_cast %select_n3A_461 : vector<16xf32> to vector<16xf32>
    tpu.vector_store %arg8[%swap3A_462], %swap3A_465 {strides = array<i32>} : memref<16xf32, #tpu.memory_space<vmem>>, vector<16xf32>,
    "tpu.region"() ({
      %run_scoped3A = tpu.sem_alloc : memref<!tpu.dma_semaphore, #tpu.memory_space<semaphore_mem>>
      %dma_start3A = arith.constant 0 : i32
      %dma_start3A_731 = tpu.memref_slice %arg9[%dma_start3A] : memref<65536xf32, #tpu.memory_space<vmem_shared>> -> memref<65536xf32, #tpu.memory_space<vmem_shared>>
      tpu.enqueue_indirect_dma source(%arg8 : memref<16xf32, #tpu.memory_space<vmem>>) target(%dma_start3A_731 : memref<65536xf32, #tpu.memory_space<vmem_shared>>) offsets(%add3A_449 : vector<16xi32>) semaphore(%run_scoped3A : memref<!tpu.dma_semaphore, #tpu.memory_space<semaphore_mem>>) {add = true}
      %dma_wait3A = arith.constant 0 : i32
      %dma_wait3A_732 = tpu.memref_slice %arg9[%dma_wait3A] : memref<65536xf32, #tpu.memory_space<vmem_shared>> -> memref<65536xf32, #tpu.memory_space<vmem_shared>>
      tpu.wait_indirect_dma semaphore(%run_scoped3A : memref<!tpu.dma_semaphore, #tpu.memory_space<semaphore_mem>>) src(%arg8 : memref<16xf32, #tpu.memory_space<vmem>>) dst(%dma_wait3A_732 : memref<65536xf32, #tpu.memory_space<vmem_shared>>)
      tpu.yield
    }) : () -> ()
    %get3A_466 = arith.constant 288 : index
    %get3A_467 = tpu.vector_load %arg6[%get3A_466] {strides = array<i32>} : memref<448xi32, #tpu.memory_space<vmem>>, vector<16xi32>,
    %get3A_468 = vector.shape_cast %get3A_467 : vector<16xi32> to vector<16xi32>
    %get3A_469 = arith.constant 288 : index
    %get3A_470 = tpu.vector_load %arg7[%get3A_469] {strides = array<i32>} : memref<448xi32, #tpu.memory_space<vmem>>, vector<16xi32>,
    %get3A_471 = vector.shape_cast %get3A_470 : vector<16xi32> to vector<16xi32>
    %mul3A_472 = arith.constant 256 : i32
    %mul3A_473 = vector.broadcast %mul3A_472 : i32 to vector<16xi32>
    %mul3A_474 = arith.muli %get3A_471, %mul3A_473 : vector<16xi32>
    %add3A_475 = arith.addi %mul3A_474, %get3A_468 : vector<16xi32>
    %add3A_476 = arith.constant 288 : i32
    %add3A_477 = arith.addi %mul3A_0, %add3A_476 : i32
    %add3A_478 = vector.broadcast %add3A_477 : i32 to vector<16xi32>
    %add3A_479 = arith.addi %iota3A, %add3A_478 : vector<16xi32>
    %lt3A_480 = arith.constant 6831 : i32
    %lt3A_481 = vector.broadcast %lt3A_480 : i32 to vector<16xi32>
    %lt3A_482 = arith.cmpi slt, %add3A_479, %lt3A_481 : vector<16xi32>
    %jit3A_483 = arith.constant 1.000000e+00 : f32
    %jit3A_484 = arith.constant 0.000000e+00 : f32
    %broadcast_in_dim3A_485 = vector.broadcast %jit3A_483 : f32 to vector<16xf32>
    %broadcast_in_dim3A_486 = vector.broadcast %jit3A_484 : f32 to vector<16xf32>
    %select_n3A_487 = arith.select %lt3A_482, %broadcast_in_dim3A_485, %broadcast_in_dim3A_486 : vector<16xi1>, vector<16xf32>
    %swap3A_488 = arith.constant 0 : index
    %swap3A_489 = tpu.vector_load %arg8[%swap3A_488] {strides = array<i32>} : memref<16xf32, #tpu.memory_space<vmem>>, vector<16xf32>,
    %swap3A_490 = vector.shape_cast %swap3A_489 : vector<16xf32> to vector<16xf32>
    %swap3A_491 = vector.shape_cast %select_n3A_487 : vector<16xf32> to vector<16xf32>
    tpu.vector_store %arg8[%swap3A_488], %swap3A_491 {strides = array<i32>} : memref<16xf32, #tpu.memory_space<vmem>>, vector<16xf32>,
    "tpu.region"() ({
      %run_scoped3A = tpu.sem_alloc : memref<!tpu.dma_semaphore, #tpu.memory_space<semaphore_mem>>
      %dma_start3A = arith.constant 0 : i32
      %dma_start3A_731 = tpu.memref_slice %arg9[%dma_start3A] : memref<65536xf32, #tpu.memory_space<vmem_shared>> -> memref<65536xf32, #tpu.memory_space<vmem_shared>>
      tpu.enqueue_indirect_dma source(%arg8 : memref<16xf32, #tpu.memory_space<vmem>>) target(%dma_start3A_731 : memref<65536xf32, #tpu.memory_space<vmem_shared>>) offsets(%add3A_475 : vector<16xi32>) semaphore(%run_scoped3A : memref<!tpu.dma_semaphore, #tpu.memory_space<semaphore_mem>>) {add = true}
      %dma_wait3A = arith.constant 0 : i32
      %dma_wait3A_732 = tpu.memref_slice %arg9[%dma_wait3A] : memref<65536xf32, #tpu.memory_space<vmem_shared>> -> memref<65536xf32, #tpu.memory_space<vmem_shared>>
      tpu.wait_indirect_dma semaphore(%run_scoped3A : memref<!tpu.dma_semaphore, #tpu.memory_space<semaphore_mem>>) src(%arg8 : memref<16xf32, #tpu.memory_space<vmem>>) dst(%dma_wait3A_732 : memref<65536xf32, #tpu.memory_space<vmem_shared>>)
      tpu.yield
    }) : () -> ()
    %get3A_492 = arith.constant 304 : index
    %get3A_493 = tpu.vector_load %arg6[%get3A_492] {strides = array<i32>} : memref<448xi32, #tpu.memory_space<vmem>>, vector<16xi32>,
    %get3A_494 = vector.shape_cast %get3A_493 : vector<16xi32> to vector<16xi32>
    %get3A_495 = arith.constant 304 : index
    %get3A_496 = tpu.vector_load %arg7[%get3A_495] {strides = array<i32>} : memref<448xi32, #tpu.memory_space<vmem>>, vector<16xi32>,
    %get3A_497 = vector.shape_cast %get3A_496 : vector<16xi32> to vector<16xi32>
    %mul3A_498 = arith.constant 256 : i32
    %mul3A_499 = vector.broadcast %mul3A_498 : i32 to vector<16xi32>
    %mul3A_500 = arith.muli %get3A_497, %mul3A_499 : vector<16xi32>
    %add3A_501 = arith.addi %mul3A_500, %get3A_494 : vector<16xi32>
    %add3A_502 = arith.constant 304 : i32
    %add3A_503 = arith.addi %mul3A_0, %add3A_502 : i32
    %add3A_504 = vector.broadcast %add3A_503 : i32 to vector<16xi32>
    %add3A_505 = arith.addi %iota3A, %add3A_504 : vector<16xi32>
    %lt3A_506 = arith.constant 6831 : i32
    %lt3A_507 = vector.broadcast %lt3A_506 : i32 to vector<16xi32>
    %lt3A_508 = arith.cmpi slt, %add3A_505, %lt3A_507 : vector<16xi32>
    %jit3A_509 = arith.constant 1.000000e+00 : f32
    %jit3A_510 = arith.constant 0.000000e+00 : f32
    %broadcast_in_dim3A_511 = vector.broadcast %jit3A_509 : f32 to vector<16xf32>
    %broadcast_in_dim3A_512 = vector.broadcast %jit3A_510 : f32 to vector<16xf32>
    %select_n3A_513 = arith.select %lt3A_508, %broadcast_in_dim3A_511, %broadcast_in_dim3A_512 : vector<16xi1>, vector<16xf32>
    %swap3A_514 = arith.constant 0 : index
    %swap3A_515 = tpu.vector_load %arg8[%swap3A_514] {strides = array<i32>} : memref<16xf32, #tpu.memory_space<vmem>>, vector<16xf32>,
    %swap3A_516 = vector.shape_cast %swap3A_515 : vector<16xf32> to vector<16xf32>
    %swap3A_517 = vector.shape_cast %select_n3A_513 : vector<16xf32> to vector<16xf32>
    tpu.vector_store %arg8[%swap3A_514], %swap3A_517 {strides = array<i32>} : memref<16xf32, #tpu.memory_space<vmem>>, vector<16xf32>,
    "tpu.region"() ({
      %run_scoped3A = tpu.sem_alloc : memref<!tpu.dma_semaphore, #tpu.memory_space<semaphore_mem>>
      %dma_start3A = arith.constant 0 : i32
      %dma_start3A_731 = tpu.memref_slice %arg9[%dma_start3A] : memref<65536xf32, #tpu.memory_space<vmem_shared>> -> memref<65536xf32, #tpu.memory_space<vmem_shared>>
      tpu.enqueue_indirect_dma source(%arg8 : memref<16xf32, #tpu.memory_space<vmem>>) target(%dma_start3A_731 : memref<65536xf32, #tpu.memory_space<vmem_shared>>) offsets(%add3A_501 : vector<16xi32>) semaphore(%run_scoped3A : memref<!tpu.dma_semaphore, #tpu.memory_space<semaphore_mem>>) {add = true}
      %dma_wait3A = arith.constant 0 : i32
      %dma_wait3A_732 = tpu.memref_slice %arg9[%dma_wait3A] : memref<65536xf32, #tpu.memory_space<vmem_shared>> -> memref<65536xf32, #tpu.memory_space<vmem_shared>>
      tpu.wait_indirect_dma semaphore(%run_scoped3A : memref<!tpu.dma_semaphore, #tpu.memory_space<semaphore_mem>>) src(%arg8 : memref<16xf32, #tpu.memory_space<vmem>>) dst(%dma_wait3A_732 : memref<65536xf32, #tpu.memory_space<vmem_shared>>)
      tpu.yield
    }) : () -> ()
    %get3A_518 = arith.constant 320 : index
    %get3A_519 = tpu.vector_load %arg6[%get3A_518] {strides = array<i32>} : memref<448xi32, #tpu.memory_space<vmem>>, vector<16xi32>,
    %get3A_520 = vector.shape_cast %get3A_519 : vector<16xi32> to vector<16xi32>
    %get3A_521 = arith.constant 320 : index
    %get3A_522 = tpu.vector_load %arg7[%get3A_521] {strides = array<i32>} : memref<448xi32, #tpu.memory_space<vmem>>, vector<16xi32>,
    %get3A_523 = vector.shape_cast %get3A_522 : vector<16xi32> to vector<16xi32>
    %mul3A_524 = arith.constant 256 : i32
    %mul3A_525 = vector.broadcast %mul3A_524 : i32 to vector<16xi32>
    %mul3A_526 = arith.muli %get3A_523, %mul3A_525 : vector<16xi32>
    %add3A_527 = arith.addi %mul3A_526, %get3A_520 : vector<16xi32>
    %add3A_528 = arith.constant 320 : i32
    %add3A_529 = arith.addi %mul3A_0, %add3A_528 : i32
    %add3A_530 = vector.broadcast %add3A_529 : i32 to vector<16xi32>
    %add3A_531 = arith.addi %iota3A, %add3A_530 : vector<16xi32>
    %lt3A_532 = arith.constant 6831 : i32
    %lt3A_533 = vector.broadcast %lt3A_532 : i32 to vector<16xi32>
    %lt3A_534 = arith.cmpi slt, %add3A_531, %lt3A_533 : vector<16xi32>
    %jit3A_535 = arith.constant 1.000000e+00 : f32
    %jit3A_536 = arith.constant 0.000000e+00 : f32
    %broadcast_in_dim3A_537 = vector.broadcast %jit3A_535 : f32 to vector<16xf32>
    %broadcast_in_dim3A_538 = vector.broadcast %jit3A_536 : f32 to vector<16xf32>
    %select_n3A_539 = arith.select %lt3A_534, %broadcast_in_dim3A_537, %broadcast_in_dim3A_538 : vector<16xi1>, vector<16xf32>
    %swap3A_540 = arith.constant 0 : index
    %swap3A_541 = tpu.vector_load %arg8[%swap3A_540] {strides = array<i32>} : memref<16xf32, #tpu.memory_space<vmem>>, vector<16xf32>,
    %swap3A_542 = vector.shape_cast %swap3A_541 : vector<16xf32> to vector<16xf32>
    %swap3A_543 = vector.shape_cast %select_n3A_539 : vector<16xf32> to vector<16xf32>
    tpu.vector_store %arg8[%swap3A_540], %swap3A_543 {strides = array<i32>} : memref<16xf32, #tpu.memory_space<vmem>>, vector<16xf32>,
    "tpu.region"() ({
      %run_scoped3A = tpu.sem_alloc : memref<!tpu.dma_semaphore, #tpu.memory_space<semaphore_mem>>
      %dma_start3A = arith.constant 0 : i32
      %dma_start3A_731 = tpu.memref_slice %arg9[%dma_start3A] : memref<65536xf32, #tpu.memory_space<vmem_shared>> -> memref<65536xf32, #tpu.memory_space<vmem_shared>>
      tpu.enqueue_indirect_dma source(%arg8 : memref<16xf32, #tpu.memory_space<vmem>>) target(%dma_start3A_731 : memref<65536xf32, #tpu.memory_space<vmem_shared>>) offsets(%add3A_527 : vector<16xi32>) semaphore(%run_scoped3A : memref<!tpu.dma_semaphore, #tpu.memory_space<semaphore_mem>>) {add = true}
      %dma_wait3A = arith.constant 0 : i32
      %dma_wait3A_732 = tpu.memref_slice %arg9[%dma_wait3A] : memref<65536xf32, #tpu.memory_space<vmem_shared>> -> memref<65536xf32, #tpu.memory_space<vmem_shared>>
      tpu.wait_indirect_dma semaphore(%run_scoped3A : memref<!tpu.dma_semaphore, #tpu.memory_space<semaphore_mem>>) src(%arg8 : memref<16xf32, #tpu.memory_space<vmem>>) dst(%dma_wait3A_732 : memref<65536xf32, #tpu.memory_space<vmem_shared>>)
      tpu.yield
    }) : () -> ()
    %get3A_544 = arith.constant 336 : index
    %get3A_545 = tpu.vector_load %arg6[%get3A_544] {strides = array<i32>} : memref<448xi32, #tpu.memory_space<vmem>>, vector<16xi32>,
    %get3A_546 = vector.shape_cast %get3A_545 : vector<16xi32> to vector<16xi32>
    %get3A_547 = arith.constant 336 : index
    %get3A_548 = tpu.vector_load %arg7[%get3A_547] {strides = array<i32>} : memref<448xi32, #tpu.memory_space<vmem>>, vector<16xi32>,
    %get3A_549 = vector.shape_cast %get3A_548 : vector<16xi32> to vector<16xi32>
    %mul3A_550 = arith.constant 256 : i32
    %mul3A_551 = vector.broadcast %mul3A_550 : i32 to vector<16xi32>
    %mul3A_552 = arith.muli %get3A_549, %mul3A_551 : vector<16xi32>
    %add3A_553 = arith.addi %mul3A_552, %get3A_546 : vector<16xi32>
    %add3A_554 = arith.constant 336 : i32
    %add3A_555 = arith.addi %mul3A_0, %add3A_554 : i32
    %add3A_556 = vector.broadcast %add3A_555 : i32 to vector<16xi32>
    %add3A_557 = arith.addi %iota3A, %add3A_556 : vector<16xi32>
    %lt3A_558 = arith.constant 6831 : i32
    %lt3A_559 = vector.broadcast %lt3A_558 : i32 to vector<16xi32>
    %lt3A_560 = arith.cmpi slt, %add3A_557, %lt3A_559 : vector<16xi32>
    %jit3A_561 = arith.constant 1.000000e+00 : f32
    %jit3A_562 = arith.constant 0.000000e+00 : f32
    %broadcast_in_dim3A_563 = vector.broadcast %jit3A_561 : f32 to vector<16xf32>
    %broadcast_in_dim3A_564 = vector.broadcast %jit3A_562 : f32 to vector<16xf32>
    %select_n3A_565 = arith.select %lt3A_560, %broadcast_in_dim3A_563, %broadcast_in_dim3A_564 : vector<16xi1>, vector<16xf32>
    %swap3A_566 = arith.constant 0 : index
    %swap3A_567 = tpu.vector_load %arg8[%swap3A_566] {strides = array<i32>} : memref<16xf32, #tpu.memory_space<vmem>>, vector<16xf32>,
    %swap3A_568 = vector.shape_cast %swap3A_567 : vector<16xf32> to vector<16xf32>
    %swap3A_569 = vector.shape_cast %select_n3A_565 : vector<16xf32> to vector<16xf32>
    tpu.vector_store %arg8[%swap3A_566], %swap3A_569 {strides = array<i32>} : memref<16xf32, #tpu.memory_space<vmem>>, vector<16xf32>,
    "tpu.region"() ({
      %run_scoped3A = tpu.sem_alloc : memref<!tpu.dma_semaphore, #tpu.memory_space<semaphore_mem>>
      %dma_start3A = arith.constant 0 : i32
      %dma_start3A_731 = tpu.memref_slice %arg9[%dma_start3A] : memref<65536xf32, #tpu.memory_space<vmem_shared>> -> memref<65536xf32, #tpu.memory_space<vmem_shared>>
      tpu.enqueue_indirect_dma source(%arg8 : memref<16xf32, #tpu.memory_space<vmem>>) target(%dma_start3A_731 : memref<65536xf32, #tpu.memory_space<vmem_shared>>) offsets(%add3A_553 : vector<16xi32>) semaphore(%run_scoped3A : memref<!tpu.dma_semaphore, #tpu.memory_space<semaphore_mem>>) {add = true}
      %dma_wait3A = arith.constant 0 : i32
      %dma_wait3A_732 = tpu.memref_slice %arg9[%dma_wait3A] : memref<65536xf32, #tpu.memory_space<vmem_shared>> -> memref<65536xf32, #tpu.memory_space<vmem_shared>>
      tpu.wait_indirect_dma semaphore(%run_scoped3A : memref<!tpu.dma_semaphore, #tpu.memory_space<semaphore_mem>>) src(%arg8 : memref<16xf32, #tpu.memory_space<vmem>>) dst(%dma_wait3A_732 : memref<65536xf32, #tpu.memory_space<vmem_shared>>)
      tpu.yield
    }) : () -> ()
    %get3A_570 = arith.constant 352 : index
    %get3A_571 = tpu.vector_load %arg6[%get3A_570] {strides = array<i32>} : memref<448xi32, #tpu.memory_space<vmem>>, vector<16xi32>,
    %get3A_572 = vector.shape_cast %get3A_571 : vector<16xi32> to vector<16xi32>
    %get3A_573 = arith.constant 352 : index
    %get3A_574 = tpu.vector_load %arg7[%get3A_573] {strides = array<i32>} : memref<448xi32, #tpu.memory_space<vmem>>, vector<16xi32>,
    %get3A_575 = vector.shape_cast %get3A_574 : vector<16xi32> to vector<16xi32>
    %mul3A_576 = arith.constant 256 : i32
    %mul3A_577 = vector.broadcast %mul3A_576 : i32 to vector<16xi32>
    %mul3A_578 = arith.muli %get3A_575, %mul3A_577 : vector<16xi32>
    %add3A_579 = arith.addi %mul3A_578, %get3A_572 : vector<16xi32>
    %add3A_580 = arith.constant 352 : i32
    %add3A_581 = arith.addi %mul3A_0, %add3A_580 : i32
    %add3A_582 = vector.broadcast %add3A_581 : i32 to vector<16xi32>
    %add3A_583 = arith.addi %iota3A, %add3A_582 : vector<16xi32>
    %lt3A_584 = arith.constant 6831 : i32
    %lt3A_585 = vector.broadcast %lt3A_584 : i32 to vector<16xi32>
    %lt3A_586 = arith.cmpi slt, %add3A_583, %lt3A_585 : vector<16xi32>
    %jit3A_587 = arith.constant 1.000000e+00 : f32
    %jit3A_588 = arith.constant 0.000000e+00 : f32
    %broadcast_in_dim3A_589 = vector.broadcast %jit3A_587 : f32 to vector<16xf32>
    %broadcast_in_dim3A_590 = vector.broadcast %jit3A_588 : f32 to vector<16xf32>
    %select_n3A_591 = arith.select %lt3A_586, %broadcast_in_dim3A_589, %broadcast_in_dim3A_590 : vector<16xi1>, vector<16xf32>
    %swap3A_592 = arith.constant 0 : index
    %swap3A_593 = tpu.vector_load %arg8[%swap3A_592] {strides = array<i32>} : memref<16xf32, #tpu.memory_space<vmem>>, vector<16xf32>,
    %swap3A_594 = vector.shape_cast %swap3A_593 : vector<16xf32> to vector<16xf32>
    %swap3A_595 = vector.shape_cast %select_n3A_591 : vector<16xf32> to vector<16xf32>
    tpu.vector_store %arg8[%swap3A_592], %swap3A_595 {strides = array<i32>} : memref<16xf32, #tpu.memory_space<vmem>>, vector<16xf32>,
    "tpu.region"() ({
      %run_scoped3A = tpu.sem_alloc : memref<!tpu.dma_semaphore, #tpu.memory_space<semaphore_mem>>
      %dma_start3A = arith.constant 0 : i32
      %dma_start3A_731 = tpu.memref_slice %arg9[%dma_start3A] : memref<65536xf32, #tpu.memory_space<vmem_shared>> -> memref<65536xf32, #tpu.memory_space<vmem_shared>>
      tpu.enqueue_indirect_dma source(%arg8 : memref<16xf32, #tpu.memory_space<vmem>>) target(%dma_start3A_731 : memref<65536xf32, #tpu.memory_space<vmem_shared>>) offsets(%add3A_579 : vector<16xi32>) semaphore(%run_scoped3A : memref<!tpu.dma_semaphore, #tpu.memory_space<semaphore_mem>>) {add = true}
      %dma_wait3A = arith.constant 0 : i32
      %dma_wait3A_732 = tpu.memref_slice %arg9[%dma_wait3A] : memref<65536xf32, #tpu.memory_space<vmem_shared>> -> memref<65536xf32, #tpu.memory_space<vmem_shared>>
      tpu.wait_indirect_dma semaphore(%run_scoped3A : memref<!tpu.dma_semaphore, #tpu.memory_space<semaphore_mem>>) src(%arg8 : memref<16xf32, #tpu.memory_space<vmem>>) dst(%dma_wait3A_732 : memref<65536xf32, #tpu.memory_space<vmem_shared>>)
      tpu.yield
    }) : () -> ()
    %get3A_596 = arith.constant 368 : index
    %get3A_597 = tpu.vector_load %arg6[%get3A_596] {strides = array<i32>} : memref<448xi32, #tpu.memory_space<vmem>>, vector<16xi32>,
    %get3A_598 = vector.shape_cast %get3A_597 : vector<16xi32> to vector<16xi32>
    %get3A_599 = arith.constant 368 : index
    %get3A_600 = tpu.vector_load %arg7[%get3A_599] {strides = array<i32>} : memref<448xi32, #tpu.memory_space<vmem>>, vector<16xi32>,
    %get3A_601 = vector.shape_cast %get3A_600 : vector<16xi32> to vector<16xi32>
    %mul3A_602 = arith.constant 256 : i32
    %mul3A_603 = vector.broadcast %mul3A_602 : i32 to vector<16xi32>
    %mul3A_604 = arith.muli %get3A_601, %mul3A_603 : vector<16xi32>
    %add3A_605 = arith.addi %mul3A_604, %get3A_598 : vector<16xi32>
    %add3A_606 = arith.constant 368 : i32
    %add3A_607 = arith.addi %mul3A_0, %add3A_606 : i32
    %add3A_608 = vector.broadcast %add3A_607 : i32 to vector<16xi32>
    %add3A_609 = arith.addi %iota3A, %add3A_608 : vector<16xi32>
    %lt3A_610 = arith.constant 6831 : i32
    %lt3A_611 = vector.broadcast %lt3A_610 : i32 to vector<16xi32>
    %lt3A_612 = arith.cmpi slt, %add3A_609, %lt3A_611 : vector<16xi32>
    %jit3A_613 = arith.constant 1.000000e+00 : f32
    %jit3A_614 = arith.constant 0.000000e+00 : f32
    %broadcast_in_dim3A_615 = vector.broadcast %jit3A_613 : f32 to vector<16xf32>
    %broadcast_in_dim3A_616 = vector.broadcast %jit3A_614 : f32 to vector<16xf32>
    %select_n3A_617 = arith.select %lt3A_612, %broadcast_in_dim3A_615, %broadcast_in_dim3A_616 : vector<16xi1>, vector<16xf32>
    %swap3A_618 = arith.constant 0 : index
    %swap3A_619 = tpu.vector_load %arg8[%swap3A_618] {strides = array<i32>} : memref<16xf32, #tpu.memory_space<vmem>>, vector<16xf32>,
    %swap3A_620 = vector.shape_cast %swap3A_619 : vector<16xf32> to vector<16xf32>
    %swap3A_621 = vector.shape_cast %select_n3A_617 : vector<16xf32> to vector<16xf32>
    tpu.vector_store %arg8[%swap3A_618], %swap3A_621 {strides = array<i32>} : memref<16xf32, #tpu.memory_space<vmem>>, vector<16xf32>,
    "tpu.region"() ({
      %run_scoped3A = tpu.sem_alloc : memref<!tpu.dma_semaphore, #tpu.memory_space<semaphore_mem>>
      %dma_start3A = arith.constant 0 : i32
      %dma_start3A_731 = tpu.memref_slice %arg9[%dma_start3A] : memref<65536xf32, #tpu.memory_space<vmem_shared>> -> memref<65536xf32, #tpu.memory_space<vmem_shared>>
      tpu.enqueue_indirect_dma source(%arg8 : memref<16xf32, #tpu.memory_space<vmem>>) target(%dma_start3A_731 : memref<65536xf32, #tpu.memory_space<vmem_shared>>) offsets(%add3A_605 : vector<16xi32>) semaphore(%run_scoped3A : memref<!tpu.dma_semaphore, #tpu.memory_space<semaphore_mem>>) {add = true}
      %dma_wait3A = arith.constant 0 : i32
      %dma_wait3A_732 = tpu.memref_slice %arg9[%dma_wait3A] : memref<65536xf32, #tpu.memory_space<vmem_shared>> -> memref<65536xf32, #tpu.memory_space<vmem_shared>>
      tpu.wait_indirect_dma semaphore(%run_scoped3A : memref<!tpu.dma_semaphore, #tpu.memory_space<semaphore_mem>>) src(%arg8 : memref<16xf32, #tpu.memory_space<vmem>>) dst(%dma_wait3A_732 : memref<65536xf32, #tpu.memory_space<vmem_shared>>)
      tpu.yield
    }) : () -> ()
    %get3A_622 = arith.constant 384 : index
    %get3A_623 = tpu.vector_load %arg6[%get3A_622] {strides = array<i32>} : memref<448xi32, #tpu.memory_space<vmem>>, vector<16xi32>,
    %get3A_624 = vector.shape_cast %get3A_623 : vector<16xi32> to vector<16xi32>
    %get3A_625 = arith.constant 384 : index
    %get3A_626 = tpu.vector_load %arg7[%get3A_625] {strides = array<i32>} : memref<448xi32, #tpu.memory_space<vmem>>, vector<16xi32>,
    %get3A_627 = vector.shape_cast %get3A_626 : vector<16xi32> to vector<16xi32>
    %mul3A_628 = arith.constant 256 : i32
    %mul3A_629 = vector.broadcast %mul3A_628 : i32 to vector<16xi32>
    %mul3A_630 = arith.muli %get3A_627, %mul3A_629 : vector<16xi32>
    %add3A_631 = arith.addi %mul3A_630, %get3A_624 : vector<16xi32>
    %add3A_632 = arith.constant 384 : i32
    %add3A_633 = arith.addi %mul3A_0, %add3A_632 : i32
    %add3A_634 = vector.broadcast %add3A_633 : i32 to vector<16xi32>
    %add3A_635 = arith.addi %iota3A, %add3A_634 : vector<16xi32>
    %lt3A_636 = arith.constant 6831 : i32
    %lt3A_637 = vector.broadcast %lt3A_636 : i32 to vector<16xi32>
    %lt3A_638 = arith.cmpi slt, %add3A_635, %lt3A_637 : vector<16xi32>
    %jit3A_639 = arith.constant 1.000000e+00 : f32
    %jit3A_640 = arith.constant 0.000000e+00 : f32
    %broadcast_in_dim3A_641 = vector.broadcast %jit3A_639 : f32 to vector<16xf32>
    %broadcast_in_dim3A_642 = vector.broadcast %jit3A_640 : f32 to vector<16xf32>
    %select_n3A_643 = arith.select %lt3A_638, %broadcast_in_dim3A_641, %broadcast_in_dim3A_642 : vector<16xi1>, vector<16xf32>
    %swap3A_644 = arith.constant 0 : index
    %swap3A_645 = tpu.vector_load %arg8[%swap3A_644] {strides = array<i32>} : memref<16xf32, #tpu.memory_space<vmem>>, vector<16xf32>,
    %swap3A_646 = vector.shape_cast %swap3A_645 : vector<16xf32> to vector<16xf32>
    %swap3A_647 = vector.shape_cast %select_n3A_643 : vector<16xf32> to vector<16xf32>
    tpu.vector_store %arg8[%swap3A_644], %swap3A_647 {strides = array<i32>} : memref<16xf32, #tpu.memory_space<vmem>>, vector<16xf32>,
    "tpu.region"() ({
      %run_scoped3A = tpu.sem_alloc : memref<!tpu.dma_semaphore, #tpu.memory_space<semaphore_mem>>
      %dma_start3A = arith.constant 0 : i32
      %dma_start3A_731 = tpu.memref_slice %arg9[%dma_start3A] : memref<65536xf32, #tpu.memory_space<vmem_shared>> -> memref<65536xf32, #tpu.memory_space<vmem_shared>>
      tpu.enqueue_indirect_dma source(%arg8 : memref<16xf32, #tpu.memory_space<vmem>>) target(%dma_start3A_731 : memref<65536xf32, #tpu.memory_space<vmem_shared>>) offsets(%add3A_631 : vector<16xi32>) semaphore(%run_scoped3A : memref<!tpu.dma_semaphore, #tpu.memory_space<semaphore_mem>>) {add = true}
      %dma_wait3A = arith.constant 0 : i32
      %dma_wait3A_732 = tpu.memref_slice %arg9[%dma_wait3A] : memref<65536xf32, #tpu.memory_space<vmem_shared>> -> memref<65536xf32, #tpu.memory_space<vmem_shared>>
      tpu.wait_indirect_dma semaphore(%run_scoped3A : memref<!tpu.dma_semaphore, #tpu.memory_space<semaphore_mem>>) src(%arg8 : memref<16xf32, #tpu.memory_space<vmem>>) dst(%dma_wait3A_732 : memref<65536xf32, #tpu.memory_space<vmem_shared>>)
      tpu.yield
    }) : () -> ()
    %get3A_648 = arith.constant 400 : index
    %get3A_649 = tpu.vector_load %arg6[%get3A_648] {strides = array<i32>} : memref<448xi32, #tpu.memory_space<vmem>>, vector<16xi32>,
    %get3A_650 = vector.shape_cast %get3A_649 : vector<16xi32> to vector<16xi32>
    %get3A_651 = arith.constant 400 : index
    %get3A_652 = tpu.vector_load %arg7[%get3A_651] {strides = array<i32>} : memref<448xi32, #tpu.memory_space<vmem>>, vector<16xi32>,
    %get3A_653 = vector.shape_cast %get3A_652 : vector<16xi32> to vector<16xi32>
    %mul3A_654 = arith.constant 256 : i32
    %mul3A_655 = vector.broadcast %mul3A_654 : i32 to vector<16xi32>
    %mul3A_656 = arith.muli %get3A_653, %mul3A_655 : vector<16xi32>
    %add3A_657 = arith.addi %mul3A_656, %get3A_650 : vector<16xi32>
    %add3A_658 = arith.constant 400 : i32
    %add3A_659 = arith.addi %mul3A_0, %add3A_658 : i32
    %add3A_660 = vector.broadcast %add3A_659 : i32 to vector<16xi32>
    %add3A_661 = arith.addi %iota3A, %add3A_660 : vector<16xi32>
    %lt3A_662 = arith.constant 6831 : i32
    %lt3A_663 = vector.broadcast %lt3A_662 : i32 to vector<16xi32>
    %lt3A_664 = arith.cmpi slt, %add3A_661, %lt3A_663 : vector<16xi32>
    %jit3A_665 = arith.constant 1.000000e+00 : f32
    %jit3A_666 = arith.constant 0.000000e+00 : f32
    %broadcast_in_dim3A_667 = vector.broadcast %jit3A_665 : f32 to vector<16xf32>
    %broadcast_in_dim3A_668 = vector.broadcast %jit3A_666 : f32 to vector<16xf32>
    %select_n3A_669 = arith.select %lt3A_664, %broadcast_in_dim3A_667, %broadcast_in_dim3A_668 : vector<16xi1>, vector<16xf32>
    %swap3A_670 = arith.constant 0 : index
    %swap3A_671 = tpu.vector_load %arg8[%swap3A_670] {strides = array<i32>} : memref<16xf32, #tpu.memory_space<vmem>>, vector<16xf32>,
    %swap3A_672 = vector.shape_cast %swap3A_671 : vector<16xf32> to vector<16xf32>
    %swap3A_673 = vector.shape_cast %select_n3A_669 : vector<16xf32> to vector<16xf32>
    tpu.vector_store %arg8[%swap3A_670], %swap3A_673 {strides = array<i32>} : memref<16xf32, #tpu.memory_space<vmem>>, vector<16xf32>,
    "tpu.region"() ({
      %run_scoped3A = tpu.sem_alloc : memref<!tpu.dma_semaphore, #tpu.memory_space<semaphore_mem>>
      %dma_start3A = arith.constant 0 : i32
      %dma_start3A_731 = tpu.memref_slice %arg9[%dma_start3A] : memref<65536xf32, #tpu.memory_space<vmem_shared>> -> memref<65536xf32, #tpu.memory_space<vmem_shared>>
      tpu.enqueue_indirect_dma source(%arg8 : memref<16xf32, #tpu.memory_space<vmem>>) target(%dma_start3A_731 : memref<65536xf32, #tpu.memory_space<vmem_shared>>) offsets(%add3A_657 : vector<16xi32>) semaphore(%run_scoped3A : memref<!tpu.dma_semaphore, #tpu.memory_space<semaphore_mem>>) {add = true}
      %dma_wait3A = arith.constant 0 : i32
      %dma_wait3A_732 = tpu.memref_slice %arg9[%dma_wait3A] : memref<65536xf32, #tpu.memory_space<vmem_shared>> -> memref<65536xf32, #tpu.memory_space<vmem_shared>>
      tpu.wait_indirect_dma semaphore(%run_scoped3A : memref<!tpu.dma_semaphore, #tpu.memory_space<semaphore_mem>>) src(%arg8 : memref<16xf32, #tpu.memory_space<vmem>>) dst(%dma_wait3A_732 : memref<65536xf32, #tpu.memory_space<vmem_shared>>)
      tpu.yield
    }) : () -> ()
    %get3A_674 = arith.constant 416 : index
    %get3A_675 = tpu.vector_load %arg6[%get3A_674] {strides = array<i32>} : memref<448xi32, #tpu.memory_space<vmem>>, vector<16xi32>,
    %get3A_676 = vector.shape_cast %get3A_675 : vector<16xi32> to vector<16xi32>
    %get3A_677 = arith.constant 416 : index
    %get3A_678 = tpu.vector_load %arg7[%get3A_677] {strides = array<i32>} : memref<448xi32, #tpu.memory_space<vmem>>, vector<16xi32>,
    %get3A_679 = vector.shape_cast %get3A_678 : vector<16xi32> to vector<16xi32>
    %mul3A_680 = arith.constant 256 : i32
    %mul3A_681 = vector.broadcast %mul3A_680 : i32 to vector<16xi32>
    %mul3A_682 = arith.muli %get3A_679, %mul3A_681 : vector<16xi32>
    %add3A_683 = arith.addi %mul3A_682, %get3A_676 : vector<16xi32>
    %add3A_684 = arith.constant 416 : i32
    %add3A_685 = arith.addi %mul3A_0, %add3A_684 : i32
    %add3A_686 = vector.broadcast %add3A_685 : i32 to vector<16xi32>
    %add3A_687 = arith.addi %iota3A, %add3A_686 : vector<16xi32>
    %lt3A_688 = arith.constant 6831 : i32
    %lt3A_689 = vector.broadcast %lt3A_688 : i32 to vector<16xi32>
    %lt3A_690 = arith.cmpi slt, %add3A_687, %lt3A_689 : vector<16xi32>
    %jit3A_691 = arith.constant 1.000000e+00 : f32
    %jit3A_692 = arith.constant 0.000000e+00 : f32
    %broadcast_in_dim3A_693 = vector.broadcast %jit3A_691 : f32 to vector<16xf32>
    %broadcast_in_dim3A_694 = vector.broadcast %jit3A_692 : f32 to vector<16xf32>
    %select_n3A_695 = arith.select %lt3A_690, %broadcast_in_dim3A_693, %broadcast_in_dim3A_694 : vector<16xi1>, vector<16xf32>
    %swap3A_696 = arith.constant 0 : index
    %swap3A_697 = tpu.vector_load %arg8[%swap3A_696] {strides = array<i32>} : memref<16xf32, #tpu.memory_space<vmem>>, vector<16xf32>,
    %swap3A_698 = vector.shape_cast %swap3A_697 : vector<16xf32> to vector<16xf32>
    %swap3A_699 = vector.shape_cast %select_n3A_695 : vector<16xf32> to vector<16xf32>
    tpu.vector_store %arg8[%swap3A_696], %swap3A_699 {strides = array<i32>} : memref<16xf32, #tpu.memory_space<vmem>>, vector<16xf32>,
    "tpu.region"() ({
      %run_scoped3A = tpu.sem_alloc : memref<!tpu.dma_semaphore, #tpu.memory_space<semaphore_mem>>
      %dma_start3A = arith.constant 0 : i32
      %dma_start3A_731 = tpu.memref_slice %arg9[%dma_start3A] : memref<65536xf32, #tpu.memory_space<vmem_shared>> -> memref<65536xf32, #tpu.memory_space<vmem_shared>>
      tpu.enqueue_indirect_dma source(%arg8 : memref<16xf32, #tpu.memory_space<vmem>>) target(%dma_start3A_731 : memref<65536xf32, #tpu.memory_space<vmem_shared>>) offsets(%add3A_683 : vector<16xi32>) semaphore(%run_scoped3A : memref<!tpu.dma_semaphore, #tpu.memory_space<semaphore_mem>>) {add = true}
      %dma_wait3A = arith.constant 0 : i32
      %dma_wait3A_732 = tpu.memref_slice %arg9[%dma_wait3A] : memref<65536xf32, #tpu.memory_space<vmem_shared>> -> memref<65536xf32, #tpu.memory_space<vmem_shared>>
      tpu.wait_indirect_dma semaphore(%run_scoped3A : memref<!tpu.dma_semaphore, #tpu.memory_space<semaphore_mem>>) src(%arg8 : memref<16xf32, #tpu.memory_space<vmem>>) dst(%dma_wait3A_732 : memref<65536xf32, #tpu.memory_space<vmem_shared>>)
      tpu.yield
    }) : () -> ()
    %get3A_700 = arith.constant 432 : index
    %get3A_701 = tpu.vector_load %arg6[%get3A_700] {strides = array<i32>} : memref<448xi32, #tpu.memory_space<vmem>>, vector<16xi32>,
    %get3A_702 = vector.shape_cast %get3A_701 : vector<16xi32> to vector<16xi32>
    %get3A_703 = arith.constant 432 : index
    %get3A_704 = tpu.vector_load %arg7[%get3A_703] {strides = array<i32>} : memref<448xi32, #tpu.memory_space<vmem>>, vector<16xi32>,
    %get3A_705 = vector.shape_cast %get3A_704 : vector<16xi32> to vector<16xi32>
    %mul3A_706 = arith.constant 256 : i32
    %mul3A_707 = vector.broadcast %mul3A_706 : i32 to vector<16xi32>
    %mul3A_708 = arith.muli %get3A_705, %mul3A_707 : vector<16xi32>
    %add3A_709 = arith.addi %mul3A_708, %get3A_702 : vector<16xi32>
    %add3A_710 = arith.constant 432 : i32
    %add3A_711 = arith.addi %mul3A_0, %add3A_710 : i32
    %add3A_712 = vector.broadcast %add3A_711 : i32 to vector<16xi32>
    %add3A_713 = arith.addi %iota3A, %add3A_712 : vector<16xi32>
    %lt3A_714 = arith.constant 6831 : i32
    %lt3A_715 = vector.broadcast %lt3A_714 : i32 to vector<16xi32>
    %lt3A_716 = arith.cmpi slt, %add3A_713, %lt3A_715 : vector<16xi32>
    %jit3A_717 = arith.constant 1.000000e+00 : f32
    %jit3A_718 = arith.constant 0.000000e+00 : f32
    %broadcast_in_dim3A_719 = vector.broadcast %jit3A_717 : f32 to vector<16xf32>
    %broadcast_in_dim3A_720 = vector.broadcast %jit3A_718 : f32 to vector<16xf32>
    %select_n3A_721 = arith.select %lt3A_716, %broadcast_in_dim3A_719, %broadcast_in_dim3A_720 : vector<16xi1>, vector<16xf32>
    %swap3A_722 = arith.constant 0 : index
    %swap3A_723 = tpu.vector_load %arg8[%swap3A_722] {strides = array<i32>} : memref<16xf32, #tpu.memory_space<vmem>>, vector<16xf32>,
    %swap3A_724 = vector.shape_cast %swap3A_723 : vector<16xf32> to vector<16xf32>
    %swap3A_725 = vector.shape_cast %select_n3A_721 : vector<16xf32> to vector<16xf32>
    tpu.vector_store %arg8[%swap3A_722], %swap3A_725 {strides = array<i32>} : memref<16xf32, #tpu.memory_space<vmem>>, vector<16xf32>,
    "tpu.region"() ({
      %run_scoped3A = tpu.sem_alloc : memref<!tpu.dma_semaphore, #tpu.memory_space<semaphore_mem>>
      %dma_start3A = arith.constant 0 : i32
      %dma_start3A_731 = tpu.memref_slice %arg9[%dma_start3A] : memref<65536xf32, #tpu.memory_space<vmem_shared>> -> memref<65536xf32, #tpu.memory_space<vmem_shared>>
      tpu.enqueue_indirect_dma source(%arg8 : memref<16xf32, #tpu.memory_space<vmem>>) target(%dma_start3A_731 : memref<65536xf32, #tpu.memory_space<vmem_shared>>) offsets(%add3A_709 : vector<16xi32>) semaphore(%run_scoped3A : memref<!tpu.dma_semaphore, #tpu.memory_space<semaphore_mem>>) {add = true}
      %dma_wait3A = arith.constant 0 : i32
      %dma_wait3A_732 = tpu.memref_slice %arg9[%dma_wait3A] : memref<65536xf32, #tpu.memory_space<vmem_shared>> -> memref<65536xf32, #tpu.memory_space<vmem_shared>>
      tpu.wait_indirect_dma semaphore(%run_scoped3A : memref<!tpu.dma_semaphore, #tpu.memory_space<semaphore_mem>>) src(%arg8 : memref<16xf32, #tpu.memory_space<vmem>>) dst(%dma_wait3A_732 : memref<65536xf32, #tpu.memory_space<vmem_shared>>)
      tpu.yield
    }) : () -> ()
    %barrier3A_726 = arith.constant 0 : index
    tpu.barrier barrier_id(%barrier3A_726)
    %mul3A_727 = arith.constant 4096 : i32
    %mul3A_728 = arith.muli %arg1, %mul3A_727 : i32
    %mul3A_729 = arith.constant 4096 : i32
    %mul3A_730 = arith.muli %arg1, %mul3A_729 : i32
    "tpu.region"() ({
      %run_scoped3A = tpu.sem_alloc : memref<!tpu.dma_semaphore, #tpu.memory_space<semaphore_mem>>
      %dma_start3A = tpu.memref_slice %arg5[%mul3A_730] : memref<65536xf32, #tpu.memory_space<hbm>> -> memref<4096xf32, #tpu.memory_space<hbm>>
      %dma_start3A_731 = tpu.memref_slice %arg9[%mul3A_728] : memref<65536xf32, #tpu.memory_space<vmem_shared>> -> memref<4096xf32, #tpu.memory_space<vmem_shared>>
      tpu.enqueue_dma source(%dma_start3A_731 : memref<4096xf32, #tpu.memory_space<vmem_shared>>) target(%dma_start3A : memref<4096xf32, #tpu.memory_space<hbm>>) target_semaphore(%run_scoped3A : memref<!tpu.dma_semaphore, #tpu.memory_space<semaphore_mem>>)
      %dma_wait3A = tpu.memref_slice %arg5[%mul3A_730] : memref<65536xf32, #tpu.memory_space<hbm>> -> memref<4096xf32, #tpu.memory_space<hbm>>
      %dma_wait3A_732 = tpu.memref_slice %arg9[%mul3A_728] : memref<65536xf32, #tpu.memory_space<vmem_shared>> -> memref<4096xf32, #tpu.memory_space<vmem_shared>>
      tpu.wait_dma2 semaphore(%run_scoped3A : memref<!tpu.dma_semaphore, #tpu.memory_space<semaphore_mem>>) src(%dma_wait3A_732 : memref<4096xf32, #tpu.memory_space<vmem_shared>>) dst(%dma_wait3A : memref<4096xf32, #tpu.memory_space<hbm>>)
      tpu.yield
    }) : () -> ()
    return
  }
}

module attributes {stable_mosaic.version = 14 : i64} {
  func.func @_main_kernel(%arg0: memref<256x256xf32, #tpu.memory_space<vmem>>, %arg1: memref<256x768xf32, #tpu.memory_space<vmem>>, %arg2: memref<1x12xf32, #tpu.memory_space<vmem>>, %arg3: memref<4x256xf32, #tpu.memory_space<vmem>>, %arg4: memref<512x256xf32, #tpu.memory_space<vmem>>, %arg5: memref<4x256xf32, #tpu.memory_space<vmem>>, %arg6: memref<512x256xf32, #tpu.memory_space<vmem>>, %arg7: memref<256x128xf32, #tpu.memory_space<vmem>>, %arg8: memref<128x1xf32, #tpu.memory_space<vmem>>, %arg9: memref<1x3328xf32, #tpu.memory_space<vmem>>, %arg10: memref<16x1xf32, #tpu.memory_space<vmem>>) attributes {dimension_semantics = [], scalar_prefetch = 0 : i64, scratch_operands = 0 : i64, tpu.core_type = #tpu.core_type<tc>} {
    %get3A = arith.constant 0 : index
    %get3A_0 = arith.constant 0 : index
    %get3A_1 = vector.load %arg0[%get3A, %get3A_0] : memref<256x256xf32, #tpu.memory_space<vmem>>, vector<256x256xf32>
    %reduce_sum3A = arith.constant dense<0.000000e+00> : vector<256xf32>
    %reduce_sum3A_2 = vector.multi_reduction <add>, %get3A_1, %reduce_sum3A [1] : vector<256x256xf32> to vector<256xf32>
    %broadcast_in_dim3A = vector.shape_cast %reduce_sum3A_2 : vector<256xf32> to vector<256x1xf32>
    %gt3A = arith.constant 0.000000e+00 : f32
    %gt3A_3 = vector.broadcast %gt3A : f32 to vector<256x1xf32>
    %gt3A_4 = arith.cmpf ogt, %broadcast_in_dim3A, %gt3A_3 : vector<256x1xf32>
    %sqrt3A = math.sqrt %broadcast_in_dim3A : vector<256x1xf32>
    %div3A = arith.constant 1.000000e+00 : f32
    %div3A_5 = vector.broadcast %div3A : f32 to vector<256x1xf32>
    %div3A_6 = arith.divf %div3A_5, %sqrt3A : vector<256x1xf32>
    %jit3A = arith.constant 0.000000e+00 : f32
    %broadcast_in_dim3A_7 = vector.broadcast %jit3A : f32 to vector<256x1xf32>
    %select_n3A = arith.select %gt3A_4, %div3A_6, %broadcast_in_dim3A_7 : vector<256x1xi1>, vector<256x1xf32>
    %mul3A = vector.broadcast %select_n3A : vector<256x1xf32> to vector<256x256xf32>
    %mul3A_8 = arith.mulf %get3A_1, %mul3A : vector<256x256xf32>
    %reshape3A = vector.shape_cast %select_n3A : vector<256x1xf32> to vector<1x256xf32>
    %mul3A_9 = vector.broadcast %reshape3A : vector<1x256xf32> to vector<256x256xf32>
    %mul3A_10 = arith.mulf %mul3A_8, %mul3A_9 : vector<256x256xf32>
    %get3A_11 = arith.constant 0 : index
    %get3A_12 = arith.constant 0 : index
    %get3A_13 = vector.load %arg1[%get3A_11, %get3A_12] : memref<256x768xf32, #tpu.memory_space<vmem>>, vector<256x768xf32>
    %convert_element_type3A = arith.truncf %get3A_13 : vector<256x768xf32> to vector<256x768xbf16>
    %convert_element_type3A_14 = arith.truncf %mul3A_10 : vector<256x256xf32> to vector<256x256xbf16>
    %convert_element_type3A_15 = arith.extf %convert_element_type3A_14 : vector<256x256xbf16> to vector<256x256xf32>
    %sub3A = arith.subf %mul3A_10, %convert_element_type3A_15 : vector<256x256xf32>
    %convert_element_type3A_16 = arith.truncf %sub3A : vector<256x256xf32> to vector<256x256xbf16>
    %convert_element_type3A_17 = arith.extf %convert_element_type3A_14 : vector<256x256xbf16> to vector<256x256xf32>
    %sub3A_18 = arith.subf %mul3A_10, %convert_element_type3A_17 : vector<256x256xf32>
    %convert_element_type3A_19 = arith.extf %convert_element_type3A_16 : vector<256x256xbf16> to vector<256x256xf32>
    %sub3A_20 = arith.subf %sub3A_18, %convert_element_type3A_19 : vector<256x256xf32>
    %convert_element_type3A_21 = arith.truncf %sub3A_20 : vector<256x256xf32> to vector<256x256xbf16>
    %dot_general3A = arith.constant dense<0.000000e+00> : vector<256x768xf32>
    %dot_general3A_22 = tpu.matmul %convert_element_type3A_14, %convert_element_type3A, %dot_general3A {dimension_numbers = #tpu.dot_dimension_numbers<[1], [0], [0], [1], [0, 0, 1, 1], [], []>, transpose_lhs_hint = false} : vector<256x256xbf16>, vector<256x768xbf16>, vector<256x768xf32> -> vector<256x768xf32>
    %dot_general3A_23 = arith.constant dense<0.000000e+00> : vector<256x768xf32>
    %dot_general3A_24 = tpu.matmul %convert_element_type3A_16, %convert_element_type3A, %dot_general3A_23 {dimension_numbers = #tpu.dot_dimension_numbers<[1], [0], [0], [1], [0, 0, 1, 1], [], []>, transpose_lhs_hint = false} : vector<256x256xbf16>, vector<256x768xbf16>, vector<256x768xf32> -> vector<256x768xf32>
    %add3A = arith.addf %dot_general3A_22, %dot_general3A_24 : vector<256x768xf32>
    %dot_general3A_25 = arith.constant dense<0.000000e+00> : vector<256x768xf32>
    %dot_general3A_26 = tpu.matmul %convert_element_type3A_21, %convert_element_type3A, %dot_general3A_25 {dimension_numbers = #tpu.dot_dimension_numbers<[1], [0], [0], [1], [0, 0, 1, 1], [], []>, transpose_lhs_hint = false} : vector<256x256xbf16>, vector<256x768xbf16>, vector<256x768xf32> -> vector<256x768xf32>
    %add3A_27 = arith.addf %add3A, %dot_general3A_26 : vector<256x768xf32>
    %slice3A = vector.extract_strided_slice %add3A_27 {offsets = [0, 0], sizes = [208, 48], strides = [1, 1]} : vector<256x768xf32> to vector<208x48xf32>
    %slice3A_28 = vector.extract_strided_slice %add3A_27 {offsets = [0, 48], sizes = [208, 48], strides = [1, 1]} : vector<256x768xf32> to vector<208x48xf32>
    %slice3A_29 = vector.extract_strided_slice %add3A_27 {offsets = [0, 96], sizes = [208, 48], strides = [1, 1]} : vector<256x768xf32> to vector<208x48xf32>
    %slice3A_30 = vector.extract_strided_slice %add3A_27 {offsets = [0, 144], sizes = [208, 48], strides = [1, 1]} : vector<256x768xf32> to vector<208x48xf32>
    %slice3A_31 = vector.extract_strided_slice %add3A_27 {offsets = [0, 192], sizes = [208, 48], strides = [1, 1]} : vector<256x768xf32> to vector<208x48xf32>
    %slice3A_32 = vector.extract_strided_slice %add3A_27 {offsets = [0, 240], sizes = [208, 48], strides = [1, 1]} : vector<256x768xf32> to vector<208x48xf32>
    %slice3A_33 = vector.extract_strided_slice %add3A_27 {offsets = [0, 288], sizes = [208, 48], strides = [1, 1]} : vector<256x768xf32> to vector<208x48xf32>
    %slice3A_34 = vector.extract_strided_slice %add3A_27 {offsets = [0, 336], sizes = [208, 48], strides = [1, 1]} : vector<256x768xf32> to vector<208x48xf32>
    %slice3A_35 = vector.extract_strided_slice %add3A_27 {offsets = [0, 384], sizes = [208, 48], strides = [1, 1]} : vector<256x768xf32> to vector<208x48xf32>
    %slice3A_36 = vector.extract_strided_slice %add3A_27 {offsets = [0, 432], sizes = [208, 48], strides = [1, 1]} : vector<256x768xf32> to vector<208x48xf32>
    %slice3A_37 = vector.extract_strided_slice %add3A_27 {offsets = [0, 480], sizes = [208, 48], strides = [1, 1]} : vector<256x768xf32> to vector<208x48xf32>
    %slice3A_38 = vector.extract_strided_slice %add3A_27 {offsets = [0, 528], sizes = [208, 48], strides = [1, 1]} : vector<256x768xf32> to vector<208x48xf32>
    %slice3A_39 = vector.extract_strided_slice %add3A_27 {offsets = [0, 576], sizes = [208, 48], strides = [1, 1]} : vector<256x768xf32> to vector<208x48xf32>
    %slice3A_40 = vector.extract_strided_slice %add3A_27 {offsets = [0, 624], sizes = [208, 48], strides = [1, 1]} : vector<256x768xf32> to vector<208x48xf32>
    %slice3A_41 = vector.extract_strided_slice %add3A_27 {offsets = [0, 672], sizes = [208, 48], strides = [1, 1]} : vector<256x768xf32> to vector<208x48xf32>
    %slice3A_42 = vector.extract_strided_slice %add3A_27 {offsets = [0, 720], sizes = [208, 48], strides = [1, 1]} : vector<256x768xf32> to vector<208x48xf32>
    %concatenate3A = tpu.concatenate %slice3A, %slice3A_28, %slice3A_29, %slice3A_30, %slice3A_31, %slice3A_32, %slice3A_33, %slice3A_34, %slice3A_35, %slice3A_36, %slice3A_37, %slice3A_38, %slice3A_39, %slice3A_40, %slice3A_41, %slice3A_42 in 0 : vector<208x48xf32>, vector<208x48xf32>, vector<208x48xf32>, vector<208x48xf32>, vector<208x48xf32>, vector<208x48xf32>, vector<208x48xf32>, vector<208x48xf32>, vector<208x48xf32>, vector<208x48xf32>, vector<208x48xf32>, vector<208x48xf32>, vector<208x48xf32>, vector<208x48xf32>, vector<208x48xf32>, vector<208x48xf32> -> vector<3328x48xf32>
    %convert_element_type3A_43 = arith.truncf %concatenate3A : vector<3328x48xf32> to vector<3328x48xbf16>
    %convert_element_type3A_44 = arith.extf %convert_element_type3A_43 : vector<3328x48xbf16> to vector<3328x48xf32>
    %sub3A_45 = arith.subf %concatenate3A, %convert_element_type3A_44 : vector<3328x48xf32>
    %convert_element_type3A_46 = arith.truncf %sub3A_45 : vector<3328x48xf32> to vector<3328x48xbf16>
    %convert_element_type3A_47 = arith.extf %convert_element_type3A_43 : vector<3328x48xbf16> to vector<3328x48xf32>
    %sub3A_48 = arith.subf %concatenate3A, %convert_element_type3A_47 : vector<3328x48xf32>
    %convert_element_type3A_49 = arith.extf %convert_element_type3A_46 : vector<3328x48xbf16> to vector<3328x48xf32>
    %sub3A_50 = arith.subf %sub3A_48, %convert_element_type3A_49 : vector<3328x48xf32>
    %convert_element_type3A_51 = arith.truncf %sub3A_50 : vector<3328x48xf32> to vector<3328x48xbf16>
    %slice3A_52 = vector.extract_strided_slice %convert_element_type3A_43 {offsets = [0, 0], sizes = [3328, 4], strides = [1, 1]} : vector<3328x48xbf16> to vector<3328x4xbf16>
    %slice3A_53 = vector.extract_strided_slice %convert_element_type3A_46 {offsets = [0, 0], sizes = [3328, 4], strides = [1, 1]} : vector<3328x48xbf16> to vector<3328x4xbf16>
    %slice3A_54 = vector.extract_strided_slice %convert_element_type3A_51 {offsets = [0, 0], sizes = [3328, 4], strides = [1, 1]} : vector<3328x48xbf16> to vector<3328x4xbf16>
    %slice3A_55 = vector.extract_strided_slice %convert_element_type3A_43 {offsets = [0, 4], sizes = [3328, 4], strides = [1, 1]} : vector<3328x48xbf16> to vector<3328x4xbf16>
    %slice3A_56 = vector.extract_strided_slice %convert_element_type3A_46 {offsets = [0, 4], sizes = [3328, 4], strides = [1, 1]} : vector<3328x48xbf16> to vector<3328x4xbf16>
    %slice3A_57 = vector.extract_strided_slice %convert_element_type3A_51 {offsets = [0, 4], sizes = [3328, 4], strides = [1, 1]} : vector<3328x48xbf16> to vector<3328x4xbf16>
    %slice3A_58 = vector.extract_strided_slice %convert_element_type3A_43 {offsets = [0, 8], sizes = [3328, 4], strides = [1, 1]} : vector<3328x48xbf16> to vector<3328x4xbf16>
    %slice3A_59 = vector.extract_strided_slice %convert_element_type3A_46 {offsets = [0, 8], sizes = [3328, 4], strides = [1, 1]} : vector<3328x48xbf16> to vector<3328x4xbf16>
    %slice3A_60 = vector.extract_strided_slice %convert_element_type3A_51 {offsets = [0, 8], sizes = [3328, 4], strides = [1, 1]} : vector<3328x48xbf16> to vector<3328x4xbf16>
    %slice3A_61 = vector.extract_strided_slice %convert_element_type3A_43 {offsets = [0, 12], sizes = [3328, 4], strides = [1, 1]} : vector<3328x48xbf16> to vector<3328x4xbf16>
    %slice3A_62 = vector.extract_strided_slice %convert_element_type3A_46 {offsets = [0, 12], sizes = [3328, 4], strides = [1, 1]} : vector<3328x48xbf16> to vector<3328x4xbf16>
    %slice3A_63 = vector.extract_strided_slice %convert_element_type3A_51 {offsets = [0, 12], sizes = [3328, 4], strides = [1, 1]} : vector<3328x48xbf16> to vector<3328x4xbf16>
    %slice3A_64 = vector.extract_strided_slice %convert_element_type3A_43 {offsets = [0, 16], sizes = [3328, 4], strides = [1, 1]} : vector<3328x48xbf16> to vector<3328x4xbf16>
    %slice3A_65 = vector.extract_strided_slice %convert_element_type3A_46 {offsets = [0, 16], sizes = [3328, 4], strides = [1, 1]} : vector<3328x48xbf16> to vector<3328x4xbf16>
    %slice3A_66 = vector.extract_strided_slice %convert_element_type3A_51 {offsets = [0, 16], sizes = [3328, 4], strides = [1, 1]} : vector<3328x48xbf16> to vector<3328x4xbf16>
    %slice3A_67 = vector.extract_strided_slice %convert_element_type3A_43 {offsets = [0, 20], sizes = [3328, 4], strides = [1, 1]} : vector<3328x48xbf16> to vector<3328x4xbf16>
    %slice3A_68 = vector.extract_strided_slice %convert_element_type3A_46 {offsets = [0, 20], sizes = [3328, 4], strides = [1, 1]} : vector<3328x48xbf16> to vector<3328x4xbf16>
    %slice3A_69 = vector.extract_strided_slice %convert_element_type3A_51 {offsets = [0, 20], sizes = [3328, 4], strides = [1, 1]} : vector<3328x48xbf16> to vector<3328x4xbf16>
    %slice3A_70 = vector.extract_strided_slice %convert_element_type3A_43 {offsets = [0, 24], sizes = [3328, 4], strides = [1, 1]} : vector<3328x48xbf16> to vector<3328x4xbf16>
    %slice3A_71 = vector.extract_strided_slice %convert_element_type3A_46 {offsets = [0, 24], sizes = [3328, 4], strides = [1, 1]} : vector<3328x48xbf16> to vector<3328x4xbf16>
    %slice3A_72 = vector.extract_strided_slice %convert_element_type3A_51 {offsets = [0, 24], sizes = [3328, 4], strides = [1, 1]} : vector<3328x48xbf16> to vector<3328x4xbf16>
    %slice3A_73 = vector.extract_strided_slice %convert_element_type3A_43 {offsets = [0, 28], sizes = [3328, 4], strides = [1, 1]} : vector<3328x48xbf16> to vector<3328x4xbf16>
    %slice3A_74 = vector.extract_strided_slice %convert_element_type3A_46 {offsets = [0, 28], sizes = [3328, 4], strides = [1, 1]} : vector<3328x48xbf16> to vector<3328x4xbf16>
    %slice3A_75 = vector.extract_strided_slice %convert_element_type3A_51 {offsets = [0, 28], sizes = [3328, 4], strides = [1, 1]} : vector<3328x48xbf16> to vector<3328x4xbf16>
    %slice3A_76 = vector.extract_strided_slice %convert_element_type3A_43 {offsets = [0, 32], sizes = [3328, 4], strides = [1, 1]} : vector<3328x48xbf16> to vector<3328x4xbf16>
    %slice3A_77 = vector.extract_strided_slice %convert_element_type3A_46 {offsets = [0, 32], sizes = [3328, 4], strides = [1, 1]} : vector<3328x48xbf16> to vector<3328x4xbf16>
    %slice3A_78 = vector.extract_strided_slice %convert_element_type3A_51 {offsets = [0, 32], sizes = [3328, 4], strides = [1, 1]} : vector<3328x48xbf16> to vector<3328x4xbf16>
    %slice3A_79 = vector.extract_strided_slice %convert_element_type3A_43 {offsets = [0, 36], sizes = [3328, 4], strides = [1, 1]} : vector<3328x48xbf16> to vector<3328x4xbf16>
    %slice3A_80 = vector.extract_strided_slice %convert_element_type3A_46 {offsets = [0, 36], sizes = [3328, 4], strides = [1, 1]} : vector<3328x48xbf16> to vector<3328x4xbf16>
    %slice3A_81 = vector.extract_strided_slice %convert_element_type3A_51 {offsets = [0, 36], sizes = [3328, 4], strides = [1, 1]} : vector<3328x48xbf16> to vector<3328x4xbf16>
    %slice3A_82 = vector.extract_strided_slice %convert_element_type3A_43 {offsets = [0, 40], sizes = [3328, 4], strides = [1, 1]} : vector<3328x48xbf16> to vector<3328x4xbf16>
    %slice3A_83 = vector.extract_strided_slice %convert_element_type3A_46 {offsets = [0, 40], sizes = [3328, 4], strides = [1, 1]} : vector<3328x48xbf16> to vector<3328x4xbf16>
    %slice3A_84 = vector.extract_strided_slice %convert_element_type3A_51 {offsets = [0, 40], sizes = [3328, 4], strides = [1, 1]} : vector<3328x48xbf16> to vector<3328x4xbf16>
    %slice3A_85 = vector.extract_strided_slice %convert_element_type3A_43 {offsets = [0, 44], sizes = [3328, 4], strides = [1, 1]} : vector<3328x48xbf16> to vector<3328x4xbf16>
    %slice3A_86 = vector.extract_strided_slice %convert_element_type3A_46 {offsets = [0, 44], sizes = [3328, 4], strides = [1, 1]} : vector<3328x48xbf16> to vector<3328x4xbf16>
    %slice3A_87 = vector.extract_strided_slice %convert_element_type3A_51 {offsets = [0, 44], sizes = [3328, 4], strides = [1, 1]} : vector<3328x48xbf16> to vector<3328x4xbf16>
    %concatenate3A_88 = tpu.concatenate %slice3A_52, %slice3A_53, %slice3A_54, %slice3A_55, %slice3A_56, %slice3A_57, %slice3A_58, %slice3A_59, %slice3A_60, %slice3A_61, %slice3A_62, %slice3A_63, %slice3A_64, %slice3A_65, %slice3A_66, %slice3A_67, %slice3A_68, %slice3A_69, %slice3A_70, %slice3A_71, %slice3A_72, %slice3A_73, %slice3A_74, %slice3A_75, %slice3A_76, %slice3A_77, %slice3A_78, %slice3A_79, %slice3A_80, %slice3A_81, %slice3A_82, %slice3A_83, %slice3A_84, %slice3A_85, %slice3A_86, %slice3A_87 in 1 : vector<3328x4xbf16>, vector<3328x4xbf16>, vector<3328x4xbf16>, vector<3328x4xbf16>, vector<3328x4xbf16>, vector<3328x4xbf16>, vector<3328x4xbf16>, vector<3328x4xbf16>, vector<3328x4xbf16>, vector<3328x4xbf16>, vector<3328x4xbf16>, vector<3328x4xbf16>, vector<3328x4xbf16>, vector<3328x4xbf16>, vector<3328x4xbf16>, vector<3328x4xbf16>, vector<3328x4xbf16>, vector<3328x4xbf16>, vector<3328x4xbf16>, vector<3328x4xbf16>, vector<3328x4xbf16>, vector<3328x4xbf16>, vector<3328x4xbf16>, vector<3328x4xbf16>, vector<3328x4xbf16>, vector<3328x4xbf16>, vector<3328x4xbf16>, vector<3328x4xbf16>, vector<3328x4xbf16>, vector<3328x4xbf16>, vector<3328x4xbf16>, vector<3328x4xbf16>, vector<3328x4xbf16>, vector<3328x4xbf16>, vector<3328x4xbf16>, vector<3328x4xbf16> -> vector<3328x144xbf16>
    %get3A_89 = arith.constant 0 : index
    %get3A_90 = arith.constant 0 : index
    %get3A_91 = vector.load %arg3[%get3A_89, %get3A_90] : memref<4x256xf32, #tpu.memory_space<vmem>>, vector<4x256xf32>
    %convert_element_type3A_92 = arith.truncf %get3A_91 : vector<4x256xf32> to vector<4x256xbf16>
    %get3A_93 = arith.constant 0 : index
    %get3A_94 = arith.constant 0 : index
    %get3A_95 = vector.load %arg5[%get3A_93, %get3A_94] : memref<4x256xf32, #tpu.memory_space<vmem>>, vector<4x256xf32>
    %convert_element_type3A_96 = arith.truncf %get3A_95 : vector<4x256xf32> to vector<4x256xbf16>
    %concatenate3A_97 = tpu.concatenate %convert_element_type3A_92, %convert_element_type3A_96 in 1 : vector<4x256xbf16>, vector<4x256xbf16> -> vector<4x512xbf16>
    %concatenate3A_98 = tpu.concatenate %concatenate3A_97, %concatenate3A_97, %concatenate3A_97 in 0 : vector<4x512xbf16>, vector<4x512xbf16>, vector<4x512xbf16> -> vector<12x512xbf16>
    %get3A_99 = arith.constant 0 : index
    %get3A_100 = arith.constant 0 : index
    %get3A_101 = vector.load %arg4[%get3A_99, %get3A_100] : memref<512x256xf32, #tpu.memory_space<vmem>>, vector<256x256xf32>
    %neg3A = arith.constant 0.000000e+00 : f32
    %neg3A_102 = vector.broadcast %neg3A : f32 to vector<256x256xf32>
    %neg3A_103 = arith.subf %neg3A_102, %get3A_101 : vector<256x256xf32>
    %convert_element_type3A_104 = arith.truncf %neg3A_103 : vector<256x256xf32> to vector<256x256xbf16>
    %convert_element_type3A_105 = arith.extf %convert_element_type3A_104 : vector<256x256xbf16> to vector<256x256xf32>
    %get3A_106 = arith.constant 0 : index
    %get3A_107 = arith.constant 0 : index
    %get3A_108 = vector.load %arg6[%get3A_106, %get3A_107] : memref<512x256xf32, #tpu.memory_space<vmem>>, vector<256x256xf32>
    %convert_element_type3A_109 = arith.truncf %get3A_108 : vector<256x256xf32> to vector<256x256xbf16>
    %convert_element_type3A_110 = arith.extf %convert_element_type3A_109 : vector<256x256xbf16> to vector<256x256xf32>
    %get3A_111 = arith.constant 0 : index
    %get3A_112 = arith.constant 0 : index
    %get3A_113 = vector.load %arg7[%get3A_111, %get3A_112] : memref<256x128xf32, #tpu.memory_space<vmem>>, vector<256x128xf32>
    %convert_element_type3A_114 = arith.truncf %get3A_113 : vector<256x128xf32> to vector<256x128xbf16>
    %get3A_115 = arith.constant 0 : index
    %get3A_116 = arith.constant 0 : index
    %get3A_117 = vector.load %arg8[%get3A_115, %get3A_116] : memref<128x1xf32, #tpu.memory_space<vmem>>, vector<128x1xf32>
    %convert_element_type3A_118 = arith.truncf %get3A_117 : vector<128x1xf32> to vector<128x1xbf16>
    %get3A_119 = arith.constant 0 : index
    %get3A_120 = arith.constant 0 : index
    %get3A_121 = vector.load %arg2[%get3A_119, %get3A_120] : memref<1x12xf32, #tpu.memory_space<vmem>>, vector<1x12xf32>
    %reduce_max3A = arith.constant dense<0xFF800000> : vector<1xf32>
    %reduce_max3A_122 = vector.multi_reduction <maximumf>, %get3A_121, %reduce_max3A [1] : vector<1x12xf32> to vector<1xf32>
    %broadcast_in_dim3A_123 = vector.shape_cast %reduce_max3A_122 : vector<1xf32> to vector<1x1xf32>
    %sub3A_124 = vector.broadcast %broadcast_in_dim3A_123 : vector<1x1xf32> to vector<1x12xf32>
    %sub3A_125 = arith.subf %get3A_121, %sub3A_124 : vector<1x12xf32>
    %exp3A = math.exp %sub3A_125 : vector<1x12xf32>
    %reduce_sum3A_126 = arith.constant dense<0.000000e+00> : vector<1xf32>
    %reduce_sum3A_127 = vector.multi_reduction <add>, %exp3A, %reduce_sum3A_126 [1] : vector<1x12xf32> to vector<1xf32>
    %broadcast_in_dim3A_128 = vector.shape_cast %reduce_sum3A_127 : vector<1xf32> to vector<1x1xf32>
    %div3A_129 = vector.broadcast %broadcast_in_dim3A_128 : vector<1x1xf32> to vector<1x12xf32>
    %div3A_130 = arith.divf %exp3A, %div3A_129 : vector<1x12xf32>
    %broadcast_in_dim3A_131 = arith.constant 0.000000e+00 : f32
    %broadcast_in_dim3A_132 = vector.broadcast %broadcast_in_dim3A_131 : f32 to vector<3328x256xf32>
    %slice3A_133 = vector.extract_strided_slice %concatenate3A_88 {offsets = [0, 0], sizes = [3328, 12], strides = [1, 1]} : vector<3328x144xbf16> to vector<3328x12xbf16>
    %dot_general3A_134 = arith.constant dense<0.000000e+00> : vector<3328x512xf32>
    %dot_general3A_135 = tpu.matmul %slice3A_133, %concatenate3A_98, %dot_general3A_134 {dimension_numbers = #tpu.dot_dimension_numbers<[1], [0], [0], [1], [0, 0, 1, 1], [], []>, transpose_lhs_hint = false} : vector<3328x12xbf16>, vector<12x512xbf16>, vector<3328x512xf32> -> vector<3328x512xf32>
    %slice3A_136 = vector.extract_strided_slice %dot_general3A_135 {offsets = [0, 0], sizes = [3328, 256], strides = [1, 1]} : vector<3328x512xf32> to vector<3328x256xf32>
    %dot_general3A_137 = arith.constant dense<0.000000e+00> : vector<3328x256xf32>
    %dot_general3A_138 = tpu.matmul %slice3A_136, %convert_element_type3A_105, %dot_general3A_137 {dimension_numbers = #tpu.dot_dimension_numbers<[1], [0], [0], [1], [0, 0, 1, 1], [], []>, transpose_lhs_hint = false} : vector<3328x256xf32>, vector<256x256xf32>, vector<3328x256xf32> -> vector<3328x256xf32>
    %slice3A_139 = vector.extract_strided_slice %dot_general3A_135 {offsets = [0, 256], sizes = [3328, 256], strides = [1, 1]} : vector<3328x512xf32> to vector<3328x256xf32>
    %dot_general3A_140 = arith.constant dense<0.000000e+00> : vector<3328x256xf32>
    %dot_general3A_141 = tpu.matmul %slice3A_139, %convert_element_type3A_110, %dot_general3A_140 {dimension_numbers = #tpu.dot_dimension_numbers<[1], [0], [0], [1], [0, 0, 1, 1], [], []>, transpose_lhs_hint = false} : vector<3328x256xf32>, vector<256x256xf32>, vector<3328x256xf32> -> vector<3328x256xf32>
    %logistic3A = arith.negf %dot_general3A_138 : vector<3328x256xf32>
    %logistic3A_142 = math.exp %logistic3A : vector<3328x256xf32>
    %logistic3A_143 = arith.constant 1.000000e+00 : f32
    %logistic3A_144 = vector.broadcast %logistic3A_143 : f32 to vector<3328x256xf32>
    %logistic3A_145 = arith.addf %logistic3A_144, %logistic3A_142 : vector<3328x256xf32>
    %logistic3A_146 = arith.divf %logistic3A_144, %logistic3A_145 : vector<3328x256xf32>
    %tanh3A = math.tanh %dot_general3A_141 : vector<3328x256xf32>
    %mul3A_147 = arith.mulf %logistic3A_146, %tanh3A : vector<3328x256xf32>
    %slice3A_148 = vector.extract_strided_slice %div3A_130 {offsets = [0, 0], sizes = [1, 1], strides = [1, 1]} : vector<1x12xf32> to vector<1x1xf32>
    %mul3A_149 = vector.broadcast %slice3A_148 : vector<1x1xf32> to vector<3328x256xf32>
    %mul3A_150 = arith.mulf %mul3A_149, %mul3A_147 : vector<3328x256xf32>
    %add3A_151 = arith.addf %broadcast_in_dim3A_132, %mul3A_150 : vector<3328x256xf32>
    %slice3A_152 = vector.extract_strided_slice %concatenate3A_88 {offsets = [0, 12], sizes = [3328, 12], strides = [1, 1]} : vector<3328x144xbf16> to vector<3328x12xbf16>
    %dot_general3A_153 = arith.constant dense<0.000000e+00> : vector<3328x512xf32>
    %dot_general3A_154 = tpu.matmul %slice3A_152, %concatenate3A_98, %dot_general3A_153 {dimension_numbers = #tpu.dot_dimension_numbers<[1], [0], [0], [1], [0, 0, 1, 1], [], []>, transpose_lhs_hint = false} : vector<3328x12xbf16>, vector<12x512xbf16>, vector<3328x512xf32> -> vector<3328x512xf32>
    %slice3A_155 = vector.extract_strided_slice %dot_general3A_154 {offsets = [0, 0], sizes = [3328, 256], strides = [1, 1]} : vector<3328x512xf32> to vector<3328x256xf32>
    %dot_general3A_156 = arith.constant dense<0.000000e+00> : vector<3328x256xf32>
    %dot_general3A_157 = tpu.matmul %slice3A_155, %convert_element_type3A_105, %dot_general3A_156 {dimension_numbers = #tpu.dot_dimension_numbers<[1], [0], [0], [1], [0, 0, 1, 1], [], []>, transpose_lhs_hint = false} : vector<3328x256xf32>, vector<256x256xf32>, vector<3328x256xf32> -> vector<3328x256xf32>
    %slice3A_158 = vector.extract_strided_slice %dot_general3A_154 {offsets = [0, 256], sizes = [3328, 256], strides = [1, 1]} : vector<3328x512xf32> to vector<3328x256xf32>
    %dot_general3A_159 = arith.constant dense<0.000000e+00> : vector<3328x256xf32>
    %dot_general3A_160 = tpu.matmul %slice3A_158, %convert_element_type3A_110, %dot_general3A_159 {dimension_numbers = #tpu.dot_dimension_numbers<[1], [0], [0], [1], [0, 0, 1, 1], [], []>, transpose_lhs_hint = false} : vector<3328x256xf32>, vector<256x256xf32>, vector<3328x256xf32> -> vector<3328x256xf32>
    %logistic3A_161 = arith.negf %dot_general3A_157 : vector<3328x256xf32>
    %logistic3A_162 = math.exp %logistic3A_161 : vector<3328x256xf32>
    %logistic3A_163 = arith.constant 1.000000e+00 : f32
    %logistic3A_164 = vector.broadcast %logistic3A_163 : f32 to vector<3328x256xf32>
    %logistic3A_165 = arith.addf %logistic3A_164, %logistic3A_162 : vector<3328x256xf32>
    %logistic3A_166 = arith.divf %logistic3A_164, %logistic3A_165 : vector<3328x256xf32>
    %tanh3A_167 = math.tanh %dot_general3A_160 : vector<3328x256xf32>
    %mul3A_168 = arith.mulf %logistic3A_166, %tanh3A_167 : vector<3328x256xf32>
    %slice3A_169 = vector.extract_strided_slice %div3A_130 {offsets = [0, 1], sizes = [1, 1], strides = [1, 1]} : vector<1x12xf32> to vector<1x1xf32>
    %mul3A_170 = vector.broadcast %slice3A_169 : vector<1x1xf32> to vector<3328x256xf32>
    %mul3A_171 = arith.mulf %mul3A_170, %mul3A_168 : vector<3328x256xf32>
    %add3A_172 = arith.addf %add3A_151, %mul3A_171 : vector<3328x256xf32>
    %slice3A_173 = vector.extract_strided_slice %concatenate3A_88 {offsets = [0, 24], sizes = [3328, 12], strides = [1, 1]} : vector<3328x144xbf16> to vector<3328x12xbf16>
    %dot_general3A_174 = arith.constant dense<0.000000e+00> : vector<3328x512xf32>
    %dot_general3A_175 = tpu.matmul %slice3A_173, %concatenate3A_98, %dot_general3A_174 {dimension_numbers = #tpu.dot_dimension_numbers<[1], [0], [0], [1], [0, 0, 1, 1], [], []>, transpose_lhs_hint = false} : vector<3328x12xbf16>, vector<12x512xbf16>, vector<3328x512xf32> -> vector<3328x512xf32>
    %slice3A_176 = vector.extract_strided_slice %dot_general3A_175 {offsets = [0, 0], sizes = [3328, 256], strides = [1, 1]} : vector<3328x512xf32> to vector<3328x256xf32>
    %dot_general3A_177 = arith.constant dense<0.000000e+00> : vector<3328x256xf32>
    %dot_general3A_178 = tpu.matmul %slice3A_176, %convert_element_type3A_105, %dot_general3A_177 {dimension_numbers = #tpu.dot_dimension_numbers<[1], [0], [0], [1], [0, 0, 1, 1], [], []>, transpose_lhs_hint = false} : vector<3328x256xf32>, vector<256x256xf32>, vector<3328x256xf32> -> vector<3328x256xf32>
    %slice3A_179 = vector.extract_strided_slice %dot_general3A_175 {offsets = [0, 256], sizes = [3328, 256], strides = [1, 1]} : vector<3328x512xf32> to vector<3328x256xf32>
    %dot_general3A_180 = arith.constant dense<0.000000e+00> : vector<3328x256xf32>
    %dot_general3A_181 = tpu.matmul %slice3A_179, %convert_element_type3A_110, %dot_general3A_180 {dimension_numbers = #tpu.dot_dimension_numbers<[1], [0], [0], [1], [0, 0, 1, 1], [], []>, transpose_lhs_hint = false} : vector<3328x256xf32>, vector<256x256xf32>, vector<3328x256xf32> -> vector<3328x256xf32>
    %logistic3A_182 = arith.negf %dot_general3A_178 : vector<3328x256xf32>
    %logistic3A_183 = math.exp %logistic3A_182 : vector<3328x256xf32>
    %logistic3A_184 = arith.constant 1.000000e+00 : f32
    %logistic3A_185 = vector.broadcast %logistic3A_184 : f32 to vector<3328x256xf32>
    %logistic3A_186 = arith.addf %logistic3A_185, %logistic3A_183 : vector<3328x256xf32>
    %logistic3A_187 = arith.divf %logistic3A_185, %logistic3A_186 : vector<3328x256xf32>
    %tanh3A_188 = math.tanh %dot_general3A_181 : vector<3328x256xf32>
    %mul3A_189 = arith.mulf %logistic3A_187, %tanh3A_188 : vector<3328x256xf32>
    %slice3A_190 = vector.extract_strided_slice %div3A_130 {offsets = [0, 2], sizes = [1, 1], strides = [1, 1]} : vector<1x12xf32> to vector<1x1xf32>
    %mul3A_191 = vector.broadcast %slice3A_190 : vector<1x1xf32> to vector<3328x256xf32>
    %mul3A_192 = arith.mulf %mul3A_191, %mul3A_189 : vector<3328x256xf32>
    %add3A_193 = arith.addf %add3A_172, %mul3A_192 : vector<3328x256xf32>
    %slice3A_194 = vector.extract_strided_slice %concatenate3A_88 {offsets = [0, 36], sizes = [3328, 12], strides = [1, 1]} : vector<3328x144xbf16> to vector<3328x12xbf16>
    %dot_general3A_195 = arith.constant dense<0.000000e+00> : vector<3328x512xf32>
    %dot_general3A_196 = tpu.matmul %slice3A_194, %concatenate3A_98, %dot_general3A_195 {dimension_numbers = #tpu.dot_dimension_numbers<[1], [0], [0], [1], [0, 0, 1, 1], [], []>, transpose_lhs_hint = false} : vector<3328x12xbf16>, vector<12x512xbf16>, vector<3328x512xf32> -> vector<3328x512xf32>
    %slice3A_197 = vector.extract_strided_slice %dot_general3A_196 {offsets = [0, 0], sizes = [3328, 256], strides = [1, 1]} : vector<3328x512xf32> to vector<3328x256xf32>
    %dot_general3A_198 = arith.constant dense<0.000000e+00> : vector<3328x256xf32>
    %dot_general3A_199 = tpu.matmul %slice3A_197, %convert_element_type3A_105, %dot_general3A_198 {dimension_numbers = #tpu.dot_dimension_numbers<[1], [0], [0], [1], [0, 0, 1, 1], [], []>, transpose_lhs_hint = false} : vector<3328x256xf32>, vector<256x256xf32>, vector<3328x256xf32> -> vector<3328x256xf32>
    %slice3A_200 = vector.extract_strided_slice %dot_general3A_196 {offsets = [0, 256], sizes = [3328, 256], strides = [1, 1]} : vector<3328x512xf32> to vector<3328x256xf32>
    %dot_general3A_201 = arith.constant dense<0.000000e+00> : vector<3328x256xf32>
    %dot_general3A_202 = tpu.matmul %slice3A_200, %convert_element_type3A_110, %dot_general3A_201 {dimension_numbers = #tpu.dot_dimension_numbers<[1], [0], [0], [1], [0, 0, 1, 1], [], []>, transpose_lhs_hint = false} : vector<3328x256xf32>, vector<256x256xf32>, vector<3328x256xf32> -> vector<3328x256xf32>
    %logistic3A_203 = arith.negf %dot_general3A_199 : vector<3328x256xf32>
    %logistic3A_204 = math.exp %logistic3A_203 : vector<3328x256xf32>
    %logistic3A_205 = arith.constant 1.000000e+00 : f32
    %logistic3A_206 = vector.broadcast %logistic3A_205 : f32 to vector<3328x256xf32>
    %logistic3A_207 = arith.addf %logistic3A_206, %logistic3A_204 : vector<3328x256xf32>
    %logistic3A_208 = arith.divf %logistic3A_206, %logistic3A_207 : vector<3328x256xf32>
    %tanh3A_209 = math.tanh %dot_general3A_202 : vector<3328x256xf32>
    %mul3A_210 = arith.mulf %logistic3A_208, %tanh3A_209 : vector<3328x256xf32>
    %slice3A_211 = vector.extract_strided_slice %div3A_130 {offsets = [0, 3], sizes = [1, 1], strides = [1, 1]} : vector<1x12xf32> to vector<1x1xf32>
    %mul3A_212 = vector.broadcast %slice3A_211 : vector<1x1xf32> to vector<3328x256xf32>
    %mul3A_213 = arith.mulf %mul3A_212, %mul3A_210 : vector<3328x256xf32>
    %add3A_214 = arith.addf %add3A_193, %mul3A_213 : vector<3328x256xf32>
    %slice3A_215 = vector.extract_strided_slice %concatenate3A_88 {offsets = [0, 48], sizes = [3328, 12], strides = [1, 1]} : vector<3328x144xbf16> to vector<3328x12xbf16>
    %dot_general3A_216 = arith.constant dense<0.000000e+00> : vector<3328x512xf32>
    %dot_general3A_217 = tpu.matmul %slice3A_215, %concatenate3A_98, %dot_general3A_216 {dimension_numbers = #tpu.dot_dimension_numbers<[1], [0], [0], [1], [0, 0, 1, 1], [], []>, transpose_lhs_hint = false} : vector<3328x12xbf16>, vector<12x512xbf16>, vector<3328x512xf32> -> vector<3328x512xf32>
    %slice3A_218 = vector.extract_strided_slice %dot_general3A_217 {offsets = [0, 0], sizes = [3328, 256], strides = [1, 1]} : vector<3328x512xf32> to vector<3328x256xf32>
    %dot_general3A_219 = arith.constant dense<0.000000e+00> : vector<3328x256xf32>
    %dot_general3A_220 = tpu.matmul %slice3A_218, %convert_element_type3A_105, %dot_general3A_219 {dimension_numbers = #tpu.dot_dimension_numbers<[1], [0], [0], [1], [0, 0, 1, 1], [], []>, transpose_lhs_hint = false} : vector<3328x256xf32>, vector<256x256xf32>, vector<3328x256xf32> -> vector<3328x256xf32>
    %slice3A_221 = vector.extract_strided_slice %dot_general3A_217 {offsets = [0, 256], sizes = [3328, 256], strides = [1, 1]} : vector<3328x512xf32> to vector<3328x256xf32>
    %dot_general3A_222 = arith.constant dense<0.000000e+00> : vector<3328x256xf32>
    %dot_general3A_223 = tpu.matmul %slice3A_221, %convert_element_type3A_110, %dot_general3A_222 {dimension_numbers = #tpu.dot_dimension_numbers<[1], [0], [0], [1], [0, 0, 1, 1], [], []>, transpose_lhs_hint = false} : vector<3328x256xf32>, vector<256x256xf32>, vector<3328x256xf32> -> vector<3328x256xf32>
    %logistic3A_224 = arith.negf %dot_general3A_220 : vector<3328x256xf32>
    %logistic3A_225 = math.exp %logistic3A_224 : vector<3328x256xf32>
    %logistic3A_226 = arith.constant 1.000000e+00 : f32
    %logistic3A_227 = vector.broadcast %logistic3A_226 : f32 to vector<3328x256xf32>
    %logistic3A_228 = arith.addf %logistic3A_227, %logistic3A_225 : vector<3328x256xf32>
    %logistic3A_229 = arith.divf %logistic3A_227, %logistic3A_228 : vector<3328x256xf32>
    %tanh3A_230 = math.tanh %dot_general3A_223 : vector<3328x256xf32>
    %mul3A_231 = arith.mulf %logistic3A_229, %tanh3A_230 : vector<3328x256xf32>
    %slice3A_232 = vector.extract_strided_slice %div3A_130 {offsets = [0, 4], sizes = [1, 1], strides = [1, 1]} : vector<1x12xf32> to vector<1x1xf32>
    %mul3A_233 = vector.broadcast %slice3A_232 : vector<1x1xf32> to vector<3328x256xf32>
    %mul3A_234 = arith.mulf %mul3A_233, %mul3A_231 : vector<3328x256xf32>
    %add3A_235 = arith.addf %add3A_214, %mul3A_234 : vector<3328x256xf32>
    %slice3A_236 = vector.extract_strided_slice %concatenate3A_88 {offsets = [0, 60], sizes = [3328, 12], strides = [1, 1]} : vector<3328x144xbf16> to vector<3328x12xbf16>
    %dot_general3A_237 = arith.constant dense<0.000000e+00> : vector<3328x512xf32>
    %dot_general3A_238 = tpu.matmul %slice3A_236, %concatenate3A_98, %dot_general3A_237 {dimension_numbers = #tpu.dot_dimension_numbers<[1], [0], [0], [1], [0, 0, 1, 1], [], []>, transpose_lhs_hint = false} : vector<3328x12xbf16>, vector<12x512xbf16>, vector<3328x512xf32> -> vector<3328x512xf32>
    %slice3A_239 = vector.extract_strided_slice %dot_general3A_238 {offsets = [0, 0], sizes = [3328, 256], strides = [1, 1]} : vector<3328x512xf32> to vector<3328x256xf32>
    %dot_general3A_240 = arith.constant dense<0.000000e+00> : vector<3328x256xf32>
    %dot_general3A_241 = tpu.matmul %slice3A_239, %convert_element_type3A_105, %dot_general3A_240 {dimension_numbers = #tpu.dot_dimension_numbers<[1], [0], [0], [1], [0, 0, 1, 1], [], []>, transpose_lhs_hint = false} : vector<3328x256xf32>, vector<256x256xf32>, vector<3328x256xf32> -> vector<3328x256xf32>
    %slice3A_242 = vector.extract_strided_slice %dot_general3A_238 {offsets = [0, 256], sizes = [3328, 256], strides = [1, 1]} : vector<3328x512xf32> to vector<3328x256xf32>
    %dot_general3A_243 = arith.constant dense<0.000000e+00> : vector<3328x256xf32>
    %dot_general3A_244 = tpu.matmul %slice3A_242, %convert_element_type3A_110, %dot_general3A_243 {dimension_numbers = #tpu.dot_dimension_numbers<[1], [0], [0], [1], [0, 0, 1, 1], [], []>, transpose_lhs_hint = false} : vector<3328x256xf32>, vector<256x256xf32>, vector<3328x256xf32> -> vector<3328x256xf32>
    %logistic3A_245 = arith.negf %dot_general3A_241 : vector<3328x256xf32>
    %logistic3A_246 = math.exp %logistic3A_245 : vector<3328x256xf32>
    %logistic3A_247 = arith.constant 1.000000e+00 : f32
    %logistic3A_248 = vector.broadcast %logistic3A_247 : f32 to vector<3328x256xf32>
    %logistic3A_249 = arith.addf %logistic3A_248, %logistic3A_246 : vector<3328x256xf32>
    %logistic3A_250 = arith.divf %logistic3A_248, %logistic3A_249 : vector<3328x256xf32>
    %tanh3A_251 = math.tanh %dot_general3A_244 : vector<3328x256xf32>
    %mul3A_252 = arith.mulf %logistic3A_250, %tanh3A_251 : vector<3328x256xf32>
    %slice3A_253 = vector.extract_strided_slice %div3A_130 {offsets = [0, 5], sizes = [1, 1], strides = [1, 1]} : vector<1x12xf32> to vector<1x1xf32>
    %mul3A_254 = vector.broadcast %slice3A_253 : vector<1x1xf32> to vector<3328x256xf32>
    %mul3A_255 = arith.mulf %mul3A_254, %mul3A_252 : vector<3328x256xf32>
    %add3A_256 = arith.addf %add3A_235, %mul3A_255 : vector<3328x256xf32>
    %slice3A_257 = vector.extract_strided_slice %concatenate3A_88 {offsets = [0, 72], sizes = [3328, 12], strides = [1, 1]} : vector<3328x144xbf16> to vector<3328x12xbf16>
    %dot_general3A_258 = arith.constant dense<0.000000e+00> : vector<3328x512xf32>
    %dot_general3A_259 = tpu.matmul %slice3A_257, %concatenate3A_98, %dot_general3A_258 {dimension_numbers = #tpu.dot_dimension_numbers<[1], [0], [0], [1], [0, 0, 1, 1], [], []>, transpose_lhs_hint = false} : vector<3328x12xbf16>, vector<12x512xbf16>, vector<3328x512xf32> -> vector<3328x512xf32>
    %slice3A_260 = vector.extract_strided_slice %dot_general3A_259 {offsets = [0, 0], sizes = [3328, 256], strides = [1, 1]} : vector<3328x512xf32> to vector<3328x256xf32>
    %dot_general3A_261 = arith.constant dense<0.000000e+00> : vector<3328x256xf32>
    %dot_general3A_262 = tpu.matmul %slice3A_260, %convert_element_type3A_105, %dot_general3A_261 {dimension_numbers = #tpu.dot_dimension_numbers<[1], [0], [0], [1], [0, 0, 1, 1], [], []>, transpose_lhs_hint = false} : vector<3328x256xf32>, vector<256x256xf32>, vector<3328x256xf32> -> vector<3328x256xf32>
    %slice3A_263 = vector.extract_strided_slice %dot_general3A_259 {offsets = [0, 256], sizes = [3328, 256], strides = [1, 1]} : vector<3328x512xf32> to vector<3328x256xf32>
    %dot_general3A_264 = arith.constant dense<0.000000e+00> : vector<3328x256xf32>
    %dot_general3A_265 = tpu.matmul %slice3A_263, %convert_element_type3A_110, %dot_general3A_264 {dimension_numbers = #tpu.dot_dimension_numbers<[1], [0], [0], [1], [0, 0, 1, 1], [], []>, transpose_lhs_hint = false} : vector<3328x256xf32>, vector<256x256xf32>, vector<3328x256xf32> -> vector<3328x256xf32>
    %logistic3A_266 = arith.negf %dot_general3A_262 : vector<3328x256xf32>
    %logistic3A_267 = math.exp %logistic3A_266 : vector<3328x256xf32>
    %logistic3A_268 = arith.constant 1.000000e+00 : f32
    %logistic3A_269 = vector.broadcast %logistic3A_268 : f32 to vector<3328x256xf32>
    %logistic3A_270 = arith.addf %logistic3A_269, %logistic3A_267 : vector<3328x256xf32>
    %logistic3A_271 = arith.divf %logistic3A_269, %logistic3A_270 : vector<3328x256xf32>
    %tanh3A_272 = math.tanh %dot_general3A_265 : vector<3328x256xf32>
    %mul3A_273 = arith.mulf %logistic3A_271, %tanh3A_272 : vector<3328x256xf32>
    %slice3A_274 = vector.extract_strided_slice %div3A_130 {offsets = [0, 6], sizes = [1, 1], strides = [1, 1]} : vector<1x12xf32> to vector<1x1xf32>
    %mul3A_275 = vector.broadcast %slice3A_274 : vector<1x1xf32> to vector<3328x256xf32>
    %mul3A_276 = arith.mulf %mul3A_275, %mul3A_273 : vector<3328x256xf32>
    %add3A_277 = arith.addf %add3A_256, %mul3A_276 : vector<3328x256xf32>
    %slice3A_278 = vector.extract_strided_slice %concatenate3A_88 {offsets = [0, 84], sizes = [3328, 12], strides = [1, 1]} : vector<3328x144xbf16> to vector<3328x12xbf16>
    %dot_general3A_279 = arith.constant dense<0.000000e+00> : vector<3328x512xf32>
    %dot_general3A_280 = tpu.matmul %slice3A_278, %concatenate3A_98, %dot_general3A_279 {dimension_numbers = #tpu.dot_dimension_numbers<[1], [0], [0], [1], [0, 0, 1, 1], [], []>, transpose_lhs_hint = false} : vector<3328x12xbf16>, vector<12x512xbf16>, vector<3328x512xf32> -> vector<3328x512xf32>
    %slice3A_281 = vector.extract_strided_slice %dot_general3A_280 {offsets = [0, 0], sizes = [3328, 256], strides = [1, 1]} : vector<3328x512xf32> to vector<3328x256xf32>
    %dot_general3A_282 = arith.constant dense<0.000000e+00> : vector<3328x256xf32>
    %dot_general3A_283 = tpu.matmul %slice3A_281, %convert_element_type3A_105, %dot_general3A_282 {dimension_numbers = #tpu.dot_dimension_numbers<[1], [0], [0], [1], [0, 0, 1, 1], [], []>, transpose_lhs_hint = false} : vector<3328x256xf32>, vector<256x256xf32>, vector<3328x256xf32> -> vector<3328x256xf32>
    %slice3A_284 = vector.extract_strided_slice %dot_general3A_280 {offsets = [0, 256], sizes = [3328, 256], strides = [1, 1]} : vector<3328x512xf32> to vector<3328x256xf32>
    %dot_general3A_285 = arith.constant dense<0.000000e+00> : vector<3328x256xf32>
    %dot_general3A_286 = tpu.matmul %slice3A_284, %convert_element_type3A_110, %dot_general3A_285 {dimension_numbers = #tpu.dot_dimension_numbers<[1], [0], [0], [1], [0, 0, 1, 1], [], []>, transpose_lhs_hint = false} : vector<3328x256xf32>, vector<256x256xf32>, vector<3328x256xf32> -> vector<3328x256xf32>
    %logistic3A_287 = arith.negf %dot_general3A_283 : vector<3328x256xf32>
    %logistic3A_288 = math.exp %logistic3A_287 : vector<3328x256xf32>
    %logistic3A_289 = arith.constant 1.000000e+00 : f32
    %logistic3A_290 = vector.broadcast %logistic3A_289 : f32 to vector<3328x256xf32>
    %logistic3A_291 = arith.addf %logistic3A_290, %logistic3A_288 : vector<3328x256xf32>
    %logistic3A_292 = arith.divf %logistic3A_290, %logistic3A_291 : vector<3328x256xf32>
    %tanh3A_293 = math.tanh %dot_general3A_286 : vector<3328x256xf32>
    %mul3A_294 = arith.mulf %logistic3A_292, %tanh3A_293 : vector<3328x256xf32>
    %slice3A_295 = vector.extract_strided_slice %div3A_130 {offsets = [0, 7], sizes = [1, 1], strides = [1, 1]} : vector<1x12xf32> to vector<1x1xf32>
    %mul3A_296 = vector.broadcast %slice3A_295 : vector<1x1xf32> to vector<3328x256xf32>
    %mul3A_297 = arith.mulf %mul3A_296, %mul3A_294 : vector<3328x256xf32>
    %add3A_298 = arith.addf %add3A_277, %mul3A_297 : vector<3328x256xf32>
    %slice3A_299 = vector.extract_strided_slice %concatenate3A_88 {offsets = [0, 96], sizes = [3328, 12], strides = [1, 1]} : vector<3328x144xbf16> to vector<3328x12xbf16>
    %dot_general3A_300 = arith.constant dense<0.000000e+00> : vector<3328x512xf32>
    %dot_general3A_301 = tpu.matmul %slice3A_299, %concatenate3A_98, %dot_general3A_300 {dimension_numbers = #tpu.dot_dimension_numbers<[1], [0], [0], [1], [0, 0, 1, 1], [], []>, transpose_lhs_hint = false} : vector<3328x12xbf16>, vector<12x512xbf16>, vector<3328x512xf32> -> vector<3328x512xf32>
    %slice3A_302 = vector.extract_strided_slice %dot_general3A_301 {offsets = [0, 0], sizes = [3328, 256], strides = [1, 1]} : vector<3328x512xf32> to vector<3328x256xf32>
    %dot_general3A_303 = arith.constant dense<0.000000e+00> : vector<3328x256xf32>
    %dot_general3A_304 = tpu.matmul %slice3A_302, %convert_element_type3A_105, %dot_general3A_303 {dimension_numbers = #tpu.dot_dimension_numbers<[1], [0], [0], [1], [0, 0, 1, 1], [], []>, transpose_lhs_hint = false} : vector<3328x256xf32>, vector<256x256xf32>, vector<3328x256xf32> -> vector<3328x256xf32>
    %slice3A_305 = vector.extract_strided_slice %dot_general3A_301 {offsets = [0, 256], sizes = [3328, 256], strides = [1, 1]} : vector<3328x512xf32> to vector<3328x256xf32>
    %dot_general3A_306 = arith.constant dense<0.000000e+00> : vector<3328x256xf32>
    %dot_general3A_307 = tpu.matmul %slice3A_305, %convert_element_type3A_110, %dot_general3A_306 {dimension_numbers = #tpu.dot_dimension_numbers<[1], [0], [0], [1], [0, 0, 1, 1], [], []>, transpose_lhs_hint = false} : vector<3328x256xf32>, vector<256x256xf32>, vector<3328x256xf32> -> vector<3328x256xf32>
    %logistic3A_308 = arith.negf %dot_general3A_304 : vector<3328x256xf32>
    %logistic3A_309 = math.exp %logistic3A_308 : vector<3328x256xf32>
    %logistic3A_310 = arith.constant 1.000000e+00 : f32
    %logistic3A_311 = vector.broadcast %logistic3A_310 : f32 to vector<3328x256xf32>
    %logistic3A_312 = arith.addf %logistic3A_311, %logistic3A_309 : vector<3328x256xf32>
    %logistic3A_313 = arith.divf %logistic3A_311, %logistic3A_312 : vector<3328x256xf32>
    %tanh3A_314 = math.tanh %dot_general3A_307 : vector<3328x256xf32>
    %mul3A_315 = arith.mulf %logistic3A_313, %tanh3A_314 : vector<3328x256xf32>
    %slice3A_316 = vector.extract_strided_slice %div3A_130 {offsets = [0, 8], sizes = [1, 1], strides = [1, 1]} : vector<1x12xf32> to vector<1x1xf32>
    %mul3A_317 = vector.broadcast %slice3A_316 : vector<1x1xf32> to vector<3328x256xf32>
    %mul3A_318 = arith.mulf %mul3A_317, %mul3A_315 : vector<3328x256xf32>
    %add3A_319 = arith.addf %add3A_298, %mul3A_318 : vector<3328x256xf32>
    %slice3A_320 = vector.extract_strided_slice %concatenate3A_88 {offsets = [0, 108], sizes = [3328, 12], strides = [1, 1]} : vector<3328x144xbf16> to vector<3328x12xbf16>
    %dot_general3A_321 = arith.constant dense<0.000000e+00> : vector<3328x512xf32>
    %dot_general3A_322 = tpu.matmul %slice3A_320, %concatenate3A_98, %dot_general3A_321 {dimension_numbers = #tpu.dot_dimension_numbers<[1], [0], [0], [1], [0, 0, 1, 1], [], []>, transpose_lhs_hint = false} : vector<3328x12xbf16>, vector<12x512xbf16>, vector<3328x512xf32> -> vector<3328x512xf32>
    %slice3A_323 = vector.extract_strided_slice %dot_general3A_322 {offsets = [0, 0], sizes = [3328, 256], strides = [1, 1]} : vector<3328x512xf32> to vector<3328x256xf32>
    %dot_general3A_324 = arith.constant dense<0.000000e+00> : vector<3328x256xf32>
    %dot_general3A_325 = tpu.matmul %slice3A_323, %convert_element_type3A_105, %dot_general3A_324 {dimension_numbers = #tpu.dot_dimension_numbers<[1], [0], [0], [1], [0, 0, 1, 1], [], []>, transpose_lhs_hint = false} : vector<3328x256xf32>, vector<256x256xf32>, vector<3328x256xf32> -> vector<3328x256xf32>
    %slice3A_326 = vector.extract_strided_slice %dot_general3A_322 {offsets = [0, 256], sizes = [3328, 256], strides = [1, 1]} : vector<3328x512xf32> to vector<3328x256xf32>
    %dot_general3A_327 = arith.constant dense<0.000000e+00> : vector<3328x256xf32>
    %dot_general3A_328 = tpu.matmul %slice3A_326, %convert_element_type3A_110, %dot_general3A_327 {dimension_numbers = #tpu.dot_dimension_numbers<[1], [0], [0], [1], [0, 0, 1, 1], [], []>, transpose_lhs_hint = false} : vector<3328x256xf32>, vector<256x256xf32>, vector<3328x256xf32> -> vector<3328x256xf32>
    %logistic3A_329 = arith.negf %dot_general3A_325 : vector<3328x256xf32>
    %logistic3A_330 = math.exp %logistic3A_329 : vector<3328x256xf32>
    %logistic3A_331 = arith.constant 1.000000e+00 : f32
    %logistic3A_332 = vector.broadcast %logistic3A_331 : f32 to vector<3328x256xf32>
    %logistic3A_333 = arith.addf %logistic3A_332, %logistic3A_330 : vector<3328x256xf32>
    %logistic3A_334 = arith.divf %logistic3A_332, %logistic3A_333 : vector<3328x256xf32>
    %tanh3A_335 = math.tanh %dot_general3A_328 : vector<3328x256xf32>
    %mul3A_336 = arith.mulf %logistic3A_334, %tanh3A_335 : vector<3328x256xf32>
    %slice3A_337 = vector.extract_strided_slice %div3A_130 {offsets = [0, 9], sizes = [1, 1], strides = [1, 1]} : vector<1x12xf32> to vector<1x1xf32>
    %mul3A_338 = vector.broadcast %slice3A_337 : vector<1x1xf32> to vector<3328x256xf32>
    %mul3A_339 = arith.mulf %mul3A_338, %mul3A_336 : vector<3328x256xf32>
    %add3A_340 = arith.addf %add3A_319, %mul3A_339 : vector<3328x256xf32>
    %slice3A_341 = vector.extract_strided_slice %concatenate3A_88 {offsets = [0, 120], sizes = [3328, 12], strides = [1, 1]} : vector<3328x144xbf16> to vector<3328x12xbf16>
    %dot_general3A_342 = arith.constant dense<0.000000e+00> : vector<3328x512xf32>
    %dot_general3A_343 = tpu.matmul %slice3A_341, %concatenate3A_98, %dot_general3A_342 {dimension_numbers = #tpu.dot_dimension_numbers<[1], [0], [0], [1], [0, 0, 1, 1], [], []>, transpose_lhs_hint = false} : vector<3328x12xbf16>, vector<12x512xbf16>, vector<3328x512xf32> -> vector<3328x512xf32>
    %slice3A_344 = vector.extract_strided_slice %dot_general3A_343 {offsets = [0, 0], sizes = [3328, 256], strides = [1, 1]} : vector<3328x512xf32> to vector<3328x256xf32>
    %dot_general3A_345 = arith.constant dense<0.000000e+00> : vector<3328x256xf32>
    %dot_general3A_346 = tpu.matmul %slice3A_344, %convert_element_type3A_105, %dot_general3A_345 {dimension_numbers = #tpu.dot_dimension_numbers<[1], [0], [0], [1], [0, 0, 1, 1], [], []>, transpose_lhs_hint = false} : vector<3328x256xf32>, vector<256x256xf32>, vector<3328x256xf32> -> vector<3328x256xf32>
    %slice3A_347 = vector.extract_strided_slice %dot_general3A_343 {offsets = [0, 256], sizes = [3328, 256], strides = [1, 1]} : vector<3328x512xf32> to vector<3328x256xf32>
    %dot_general3A_348 = arith.constant dense<0.000000e+00> : vector<3328x256xf32>
    %dot_general3A_349 = tpu.matmul %slice3A_347, %convert_element_type3A_110, %dot_general3A_348 {dimension_numbers = #tpu.dot_dimension_numbers<[1], [0], [0], [1], [0, 0, 1, 1], [], []>, transpose_lhs_hint = false} : vector<3328x256xf32>, vector<256x256xf32>, vector<3328x256xf32> -> vector<3328x256xf32>
    %logistic3A_350 = arith.negf %dot_general3A_346 : vector<3328x256xf32>
    %logistic3A_351 = math.exp %logistic3A_350 : vector<3328x256xf32>
    %logistic3A_352 = arith.constant 1.000000e+00 : f32
    %logistic3A_353 = vector.broadcast %logistic3A_352 : f32 to vector<3328x256xf32>
    %logistic3A_354 = arith.addf %logistic3A_353, %logistic3A_351 : vector<3328x256xf32>
    %logistic3A_355 = arith.divf %logistic3A_353, %logistic3A_354 : vector<3328x256xf32>
    %tanh3A_356 = math.tanh %dot_general3A_349 : vector<3328x256xf32>
    %mul3A_357 = arith.mulf %logistic3A_355, %tanh3A_356 : vector<3328x256xf32>
    %slice3A_358 = vector.extract_strided_slice %div3A_130 {offsets = [0, 10], sizes = [1, 1], strides = [1, 1]} : vector<1x12xf32> to vector<1x1xf32>
    %mul3A_359 = vector.broadcast %slice3A_358 : vector<1x1xf32> to vector<3328x256xf32>
    %mul3A_360 = arith.mulf %mul3A_359, %mul3A_357 : vector<3328x256xf32>
    %add3A_361 = arith.addf %add3A_340, %mul3A_360 : vector<3328x256xf32>
    %slice3A_362 = vector.extract_strided_slice %concatenate3A_88 {offsets = [0, 132], sizes = [3328, 12], strides = [1, 1]} : vector<3328x144xbf16> to vector<3328x12xbf16>
    %dot_general3A_363 = arith.constant dense<0.000000e+00> : vector<3328x512xf32>
    %dot_general3A_364 = tpu.matmul %slice3A_362, %concatenate3A_98, %dot_general3A_363 {dimension_numbers = #tpu.dot_dimension_numbers<[1], [0], [0], [1], [0, 0, 1, 1], [], []>, transpose_lhs_hint = false} : vector<3328x12xbf16>, vector<12x512xbf16>, vector<3328x512xf32> -> vector<3328x512xf32>
    %slice3A_365 = vector.extract_strided_slice %dot_general3A_364 {offsets = [0, 0], sizes = [3328, 256], strides = [1, 1]} : vector<3328x512xf32> to vector<3328x256xf32>
    %dot_general3A_366 = arith.constant dense<0.000000e+00> : vector<3328x256xf32>
    %dot_general3A_367 = tpu.matmul %slice3A_365, %convert_element_type3A_105, %dot_general3A_366 {dimension_numbers = #tpu.dot_dimension_numbers<[1], [0], [0], [1], [0, 0, 1, 1], [], []>, transpose_lhs_hint = false} : vector<3328x256xf32>, vector<256x256xf32>, vector<3328x256xf32> -> vector<3328x256xf32>
    %slice3A_368 = vector.extract_strided_slice %dot_general3A_364 {offsets = [0, 256], sizes = [3328, 256], strides = [1, 1]} : vector<3328x512xf32> to vector<3328x256xf32>
    %dot_general3A_369 = arith.constant dense<0.000000e+00> : vector<3328x256xf32>
    %dot_general3A_370 = tpu.matmul %slice3A_368, %convert_element_type3A_110, %dot_general3A_369 {dimension_numbers = #tpu.dot_dimension_numbers<[1], [0], [0], [1], [0, 0, 1, 1], [], []>, transpose_lhs_hint = false} : vector<3328x256xf32>, vector<256x256xf32>, vector<3328x256xf32> -> vector<3328x256xf32>
    %logistic3A_371 = arith.negf %dot_general3A_367 : vector<3328x256xf32>
    %logistic3A_372 = math.exp %logistic3A_371 : vector<3328x256xf32>
    %logistic3A_373 = arith.constant 1.000000e+00 : f32
    %logistic3A_374 = vector.broadcast %logistic3A_373 : f32 to vector<3328x256xf32>
    %logistic3A_375 = arith.addf %logistic3A_374, %logistic3A_372 : vector<3328x256xf32>
    %logistic3A_376 = arith.divf %logistic3A_374, %logistic3A_375 : vector<3328x256xf32>
    %tanh3A_377 = math.tanh %dot_general3A_370 : vector<3328x256xf32>
    %mul3A_378 = arith.mulf %logistic3A_376, %tanh3A_377 : vector<3328x256xf32>
    %slice3A_379 = vector.extract_strided_slice %div3A_130 {offsets = [0, 11], sizes = [1, 1], strides = [1, 1]} : vector<1x12xf32> to vector<1x1xf32>
    %mul3A_380 = vector.broadcast %slice3A_379 : vector<1x1xf32> to vector<3328x256xf32>
    %mul3A_381 = arith.mulf %mul3A_380, %mul3A_378 : vector<3328x256xf32>
    %add3A_382 = arith.addf %add3A_361, %mul3A_381 : vector<3328x256xf32>
    %convert_element_type3A_383 = arith.truncf %add3A_382 : vector<3328x256xf32> to vector<3328x256xbf16>
    %dot_general3A_384 = arith.constant dense<0.000000e+00> : vector<3328x128xf32>
    %dot_general3A_385 = tpu.matmul %convert_element_type3A_383, %convert_element_type3A_114, %dot_general3A_384 {dimension_numbers = #tpu.dot_dimension_numbers<[1], [0], [0], [1], [0, 0, 1, 1], [], []>, transpose_lhs_hint = false} : vector<3328x256xbf16>, vector<256x128xbf16>, vector<3328x128xf32> -> vector<3328x128xf32>
    %convert_element_type3A_386 = arith.truncf %dot_general3A_385 : vector<3328x128xf32> to vector<3328x128xbf16>
    %dot_general3A_387 = arith.constant dense<0.000000e+00> : vector<3328x1xf32>
    %dot_general3A_388 = tpu.matmul %convert_element_type3A_386, %convert_element_type3A_118, %dot_general3A_387 {dimension_numbers = #tpu.dot_dimension_numbers<[1], [0], [0], [1], [0, 0, 1, 1], [], []>, transpose_lhs_hint = false} : vector<3328x128xbf16>, vector<128x1xbf16>, vector<3328x1xf32> -> vector<3328x1xf32>
    %iota3A = tpu.iota {dimensions = array<i32: 0>} : vector<16x3328xi32>
    %iota3A_389 = tpu.iota {dimensions = array<i32: 1>} : vector<16x3328xi32>
    %jit3A_390 = arith.constant 208 : i32
    %div3A_391 = vector.broadcast %jit3A_390 : i32 to vector<16x3328xi32>
    %div3A_392 = arith.divsi %iota3A_389, %div3A_391 : vector<16x3328xi32>
    %sign3A = arith.constant 0 : i32
    %sign3A_393 = vector.broadcast %sign3A : i32 to vector<16x3328xi32>
    %sign3A_394 = arith.cmpi sgt, %iota3A_389, %sign3A_393 : vector<16x3328xi32>
    %sign3A_395 = arith.extui %sign3A_394 : vector<16x3328xi1> to vector<16x3328xi32>
    %sign3A_396 = arith.constant 0 : i32
    %sign3A_397 = vector.broadcast %sign3A_396 : i32 to vector<16x3328xi32>
    %sign3A_398 = arith.cmpi slt, %iota3A_389, %sign3A_397 : vector<16x3328xi32>
    %sign3A_399 = arith.extui %sign3A_398 : vector<16x3328xi1> to vector<16x3328xi32>
    %sign3A_400 = arith.subi %sign3A_395, %sign3A_399 : vector<16x3328xi32>
    %sign3A_401 = arith.constant 0 : i32
    %sign3A_402 = arith.cmpi sgt, %jit3A_390, %sign3A_401 : i32
    %sign3A_403 = arith.extui %sign3A_402 : i1 to i32
    %sign3A_404 = arith.constant 0 : i32
    %sign3A_405 = arith.cmpi slt, %jit3A_390, %sign3A_404 : i32
    %sign3A_406 = arith.extui %sign3A_405 : i1 to i32
    %sign3A_407 = arith.subi %sign3A_403, %sign3A_406 : i32
    %ne3A = vector.broadcast %sign3A_407 : i32 to vector<16x3328xi32>
    %ne3A_408 = arith.cmpi ne, %sign3A_400, %ne3A : vector<16x3328xi32>
    %rem3A = vector.broadcast %jit3A_390 : i32 to vector<16x3328xi32>
    %rem3A_409 = arith.remsi %iota3A_389, %rem3A : vector<16x3328xi32>
    %ne3A_410 = arith.constant 0 : i32
    %ne3A_411 = vector.broadcast %ne3A_410 : i32 to vector<16x3328xi32>
    %ne3A_412 = arith.cmpi ne, %rem3A_409, %ne3A_411 : vector<16x3328xi32>
    %and3A = arith.andi %ne3A_408, %ne3A_412 : vector<16x3328xi1>
    %sub3A_413 = arith.constant 1 : i32
    %sub3A_414 = vector.broadcast %sub3A_413 : i32 to vector<16x3328xi32>
    %sub3A_415 = arith.subi %div3A_392, %sub3A_414 : vector<16x3328xi32>
    %select_n3A_416 = arith.select %and3A, %sub3A_415, %div3A_392 : vector<16x3328xi1>, vector<16x3328xi32>
    %eq3A = arith.cmpi eq, %iota3A, %select_n3A_416 : vector<16x3328xi32>
    %get3A_417 = arith.constant 0 : index
    %get3A_418 = arith.constant 0 : index
    %get3A_419 = vector.load %arg9[%get3A_417, %get3A_418] : memref<1x3328xf32, #tpu.memory_space<vmem>>, vector<1x3328xf32>
    %broadcast_in_dim3A_420 = vector.shape_cast %get3A_419 : vector<1x3328xf32> to vector<1x3328xf32>
    %broadcast_in_dim3A_421 = vector.broadcast %broadcast_in_dim3A_420 : vector<1x3328xf32> to vector<16x3328xf32>
    %jit3A_422 = arith.constant 0.000000e+00 : f32
    %broadcast_in_dim3A_423 = vector.broadcast %jit3A_422 : f32 to vector<16x3328xf32>
    %select_n3A_424 = arith.select %eq3A, %broadcast_in_dim3A_421, %broadcast_in_dim3A_423 : vector<16x3328xi1>, vector<16x3328xf32>
    %convert_element_type3A_425 = arith.truncf %select_n3A_424 : vector<16x3328xf32> to vector<16x3328xbf16>
    %convert_element_type3A_426 = arith.truncf %dot_general3A_388 : vector<3328x1xf32> to vector<3328x1xbf16>
    %dot_general3A_427 = arith.constant dense<0.000000e+00> : vector<16x1xf32>
    %dot_general3A_428 = tpu.matmul %convert_element_type3A_425, %convert_element_type3A_426, %dot_general3A_427 {dimension_numbers = #tpu.dot_dimension_numbers<[1], [0], [0], [1], [0, 0, 1, 1], [], []>, transpose_lhs_hint = false} : vector<16x3328xbf16>, vector<3328x1xbf16>, vector<16x1xf32> -> vector<16x1xf32>
    %max3A = arith.constant 0.000000e+00 : f32
    %max3A_429 = vector.broadcast %max3A : f32 to vector<16x1xf32>
    %max3A_430 = arith.maximumf %dot_general3A_428, %max3A_429 : vector<16x1xf32>
    %swap3A = arith.constant 0 : index
    %swap3A_431 = arith.constant 0 : index
    %swap3A_432 = vector.load %arg10[%swap3A, %swap3A_431] : memref<16x1xf32, #tpu.memory_space<vmem>>, vector<16x1xf32>
    tpu.vector_store %arg10[%swap3A, %swap3A_431], %max3A_430 {strides = array<i32>} : memref<16x1xf32, #tpu.memory_space<vmem>>, vector<16x1xf32>,
    return
  }
}

</mosaic_0001>

<sc_bundles>
// kernel: kernel.4.cloned.1.call-start
scs
__scs_entry_jumppad:
0x0: {  	(pc) =	sbr.rel $0x88, $3  }
0x1: {  	(tag) =	ssettag $0x0;
	lr =	simm.s32 $0x1  }
0x2: {  	[smem:$0x3F97] =	sst lr;
	_ =	strace $0xD0000000  }
0x3: {  	_ = 	snop  }
0x4: {  	_ = 	snop  }
0x5: {  	_ = 	snop  }
0x6: {  	_ = 	snop  }
0x7: {  	_ = 	snop  }
__scs_overlays_trampoline_lowered:
0x8: {  	[smem:$0x3FA6] =	sst s0  }
0x9: {  	[smem:$0x3FA7] =	sst s1  }
0xa: {  	[smem:$0x3FA8] =	sst s2  }
0xb: {  	[smem:$0x3FA9] =	sst s3  }
0xc: {  	[smem:$0x3FAA] =	sst s4  }
0xd: {  	[smem:$0x3FAB] =	sst s5  }
0xe: {  	[smem:$0x3FAC] =	sst s6  }
0xf: {  	[smem:$0x3FAD] =	sst s7  }
0x10: {  	[smem:$0x3FAE] =	sst s8  }
0x11: {  	[smem:$0x3FAF] =	sst s9;
	s0 =	simm.s32 @!p0 $0x0  }
0x12: {  	s1 =	sld [smem:$0x3F95];
	s0 =	simm.s32 @p0 $0x1  }
0x13: {  	[smem:$0x3FB0] =	sst s0;
	s0 =	simm.s32 @!p1 $0x0  }
0x14: {  	s2 =	sld [smem:$0x3F94];
	s0 =	simm.s32 @p1 $0x1  }
0x15: {  	[smem:$0x3FB1] =	sst s0;
	s0 =	simm.s32 @!p2 $0x0  }
0x16: {  	s3 =	sld [smem:$0x3FDB];
	s0 =	simm.s32 @p2 $0x1  }
0x17: {  	s4 =	simm.s32 $0x1BF5;
	[smem:$0x3FB3] =	sst s0  }
0x18: {  	s0 =	sld [smem:$0x3F96];
	_ =	swait.ge [sflag:s4], $0x0  }
0x19: {  	s7 =	sld [smem:$0x3F97]  }
0x1a: {  	s8 =	sadd.s32 $0xFFFFE003, lr  }
0x1b: {  	s9 =	sadd.s32 $0xFFFFFEF7, lr;
	s5 =	simm.s32 $0xFFFFFFFF;
	p2 =	slt.u32 s8, $0xFFFFF086  }
0x1c: {  	p1 =	slt.u32 s9, $0xF7A;
	s5 =	simm.s32 @!p2 $0x0  }
0x1d: {  	s5 =	simm.s32 @p1 $0x1;
	p0 =	seq.s32 s7, s2  }
0x1e: {  	s7 =	smul.u32 @!p0 $0xF7A, s2;
	p2 =	seq.s32 @!p0 s5, $0x0  }
0x1f: {  	s9 =	smul.u32 $0xF7A, s1;
	s8 =	simm.s32 @!p0 $0x1BF5;
	p2 =	por !p2, p0  }
0x20: {  	[sflag:s8] =	ssyncset.s32 @!p0 $0xFFFFF086;
	s6 =	sadd.s32 @!p0 s3, s7;
	s7 =	simm.s32 @!p0 $0x108  }
0x21: {  	s3 =	sadd.s32 s3, s9;
	s6 =	sadd.s32 @!p0 $0x88, s6;
	s7 =	simm.s32 @p2 $0x1082  }
0x22: {  	[simem:s7], [sflag:s8] =	dma.local @!p0 [hbm:s6], $0xF7A  }
0x23: {  	s9 =	sor.u32 $0xD0000000, s2;
	s6 =	simm.s32 $0x108;
	_ =	swait.ge @!p0 [sflag:s8], $0x0  }
0x24: {  	s3 =	sadd.s32 $0x88, s3;
	s6 =	simm.s32 @!p1 $0x1082;
	[sflag:s4] =	ssyncset.s32 $0xFFFFF086  }
0x25: {  	[simem:s6], [sflag:s4] =	dma.local [hbm:s3], $0xF7A  }
0x26: {  	[smem:$0x3F97] =	sst s1;
	(tag) =	ssettag s2;
	_ =	strace s9  }
0x27: {  	s1 =	sld [smem:$0x3FA7]  }
0x28: {  	s2 =	sld [smem:$0x3FA8]  }
0x29: {  	s4 =	sld [smem:$0x3FAA]  }
0x2a: {  	p0 =	seq.s32 s5, $0x0;
	s5 =	sld [smem:$0x3FAB]  }
0x2b: {  	s6 =	sld [smem:$0x3FAC]  }
0x2c: {  	s7 =	sld [smem:$0x3FAD]  }
0x2d: {  	s3 =	simm.s32 $0x108;
	s8 =	sld [smem:$0x3FAE]  }
0x2e: {  	s3 =	simm.s32 @!p0 $0x1082;
	s9 =	sld [smem:$0x3FAF]  }
0x2f: {  	lr =	sadd.s32 s0, s3;
	s0 =	sld [smem:$0x3FA6]  }
0x30: {  	s3 =	sld [smem:$0x3FA9]  }
0x31: {  	[smem:$0x3FB2] =	sst s10  }
0x32: {  	s10 =	sld [smem:$0x3FB0];
	_ =	sdelay $0x3  }
0x33: {  	p0 =	seq.s32 s10, $0x1;
	s10 =	sld [smem:$0x3FB2];
	_ =	sdelay $0x3  }
0x34: {  	[smem:$0x3FB2] =	sst s10  }
0x35: {  	s10 =	sld [smem:$0x3FB1];
	_ =	sdelay $0x3  }
0x36: {  	p1 =	seq.s32 s10, $0x1;
	s10 =	sld [smem:$0x3FB2];
	_ =	sdelay $0x3  }
0x37: {  	[smem:$0x3FB2] =	sst s10  }
0x38: {  	s10 =	sld [smem:$0x3FB3]  }
0x39: {  	_ = 	snop;
	(pc) =	sbr.ind lr, $3  }
0x3a: {  	_ = 	snop  }
0x3b: {  	_ = 	snop  }
0x3c: {  	p2 =	seq.s32 s10, $0x1;
	s10 =	sld [smem:$0x3FB2]  }
0x3d: {  	_ =	shalt  }
0x3e: {  	_ =	shalt  }
0x3f: {  	_ =	shalt  }
0x40: {  	_ =	shalt  }
0x41: {  	_ =	shalt  }
0x42: {  	_ =	shalt  }
0x43: {  	_ =	shalt  }
0x44: {  	_ =	shalt  }
0x45: {  	_ =	shalt  }
0x46: {  	_ =	shalt  }
0x47: {  	_ =	shalt  }
0x48: {  	_ =	shalt  }
0x49: {  	_ =	shalt  }
0x4a: {  	_ =	shalt  }
0x4b: {  	_ =	shalt  }
0x4c: {  	_ =	shalt  }
0x4d: {  	_ =	shalt  }
0x4e: {  	_ =	shalt  }
0x4f: {  	_ =	shalt  }
0x50: {  	_ =	shalt  }
0x51: {  	_ =	shalt  }
0x52: {  	_ =	shalt  }
0x53: {  	_ =	shalt  }
0x54: {  	_ =	shalt  }
0x55: {  	_ =	shalt  }
0x56: {  	_ =	shalt  }
0x57: {  	_ =	shalt  }
0x58: {  	_ =	shalt  }
0x59: {  	_ =	shalt  }
0x5a: {  	_ =	shalt  }
0x5b: {  	_ =	shalt  }
0x5c: {  	_ =	shalt  }
0x5d: {  	_ =	shalt  }
0x5e: {  	_ =	shalt  }
0x5f: {  	_ =	shalt  }
0x60: {  	_ =	shalt  }
0x61: {  	_ =	shalt  }
0x62: {  	_ =	shalt  }
0x63: {  	_ =	shalt  }
0x64: {  	_ =	shalt  }
0x65: {  	_ =	shalt  }
0x66: {  	_ =	shalt  }
0x67: {  	_ =	shalt  }
0x68: {  	_ =	shalt  }
0x69: {  	_ =	shalt  }
0x6a: {  	_ =	shalt  }
0x6b: {  	_ =	shalt  }
0x6c: {  	_ =	shalt  }
0x6d: {  	_ =	shalt  }
0x6e: {  	_ =	shalt  }
0x6f: {  	_ =	shalt  }
0x70: {  	_ =	shalt  }
0x71: {  	_ =	shalt  }
0x72: {  	_ =	shalt  }
0x73: {  	_ =	shalt  }
0x74: {  	_ =	shalt  }
0x75: {  	_ =	shalt  }
0x76: {  	_ =	shalt  }
0x77: {  	_ =	shalt  }
0x78: {  	_ =	shalt  }
0x79: {  	_ =	shalt  }
0x7a: {  	_ =	shalt  }
0x7b: {  	_ =	shalt  }
0x7c: {  	_ =	shalt  }
0x7d: {  	_ =	shalt  }
0x7e: {  	_ =	shalt  }
0x7f: {  	_ =	shalt  }
0x80: {  	_ =	shalt  }
0x81: {  	_ =	shalt  }
0x82: {  	_ =	shalt  }
0x83: {  	_ =	shalt  }
0x84: {  	_ =	shalt  }
0x85: {  	_ =	shalt  }
0x86: {  	_ =	shalt  }
0x87: {  	_ =	shalt  }
.Lfunc_end0:
.L_simem_size_0:
called_computation_lowered:
.L_overlay_start_0:
0x88: {  	s0 =	sld [smem:$0x3FD9]  }
0x89: {  	s1 =	sld [smem:$0x3FFE];
	_ =	sdelay $0x3  }
0x8a: {  	s0 =	sadd.s32 s1, s0  }
0x8b: {  	[smem:$0x3FBE] =	sst s0  }
0x8c: {  	_ = 	snop  }
0x8d: {  	(tm) =	ssettm $0x1  }
0x8e: {  	s15 =	sld [smem:$0x3FFB];
	_ =	sdelay $0x3  }
0x8f: {  	_ =	strace s15  }
0x90: {  	s0 =	sld [smem:$0x3FFC];
	_ =	sdelay $0x3  }
0x91: {  	_ =	strace s0  }
0x92: {  	s0 =	sld [smem:$0x3FFD];
	_ =	sdelay $0x3  }
0x93: {  	_ =	strace s0  }
0x94: {  	_ =	strace $0x8FFFFFFF  }
0x95: {  	s16 =	sld [smem:$0x3FDB];
	_ =	sdelay $0x1  }
0x96: {  	s17 =	simm.s32 $_scs_section_size  }
0x97: {  	s2 =	simm.s32 $_size__tile_overlayer_lowered;
	s3 =	simm.s32 $_tile_overlayer_lowered  }
0x98: {  	s20 =	simm.s32 $0x1BFF;
	s19 =	sshll.u32 s3, $0x1;
	s0 =	sadd.s32 s17, s16  }
0x99: {  	s4 =	simm.s32 $0x0;
	s18 =	sshll.u32 s2, $0x1;
	s2 =	sadd.s32 s19, s0  }
0x9a: {  	[timem:s4], [sflag:s20] =	dma.local [hbm:s2], s18  }
0x9b: {  	_ =	swait.ge [sflag:s20], s18  }
0x9c: {  	s1 =	ssub.s32 $0x0, s18;
	[sflag:s20] =	ssyncset.done $0x0  }
0x9d: {  	[sflag:s20] =	ssyncadd.s32 s1;
	_ =	sdelay $0x1  }
0x9e: {  	s21 =	simm.s32 $0x1B8B  }
0x9f: {  	_ =	swait.ge [sflag:s21], $0x1  }
0xa0: {  	[sflag:s21] =	ssyncset.done $0x0  }
0xa1: {  	s23 =	simm.s32 $0x1B8E;
	s22 =	sld [smem:$0x3FFE];
	[sflag:s21] =	ssyncadd.s32 $0xFFFFFFFF  }
0xa2: {  	s24 =	simm.s32 $execute0_lowered;
	[smem:$0x3FD2] =	sst s23  }
0xa3: {  	s2 =	sshll.u32 s24, $0x1;
	_ =	strace $0x80000046;
	[dreg:$0x1] =	wrdreg $0xFFFFFFFF  }
0xa4: {  	s25 =	simm.s32 $_size_execute0_lowered;
	s0 =	sadd.s32 s0, s2;
	[dreg:$0x0] =	wrdreg $0x0  }
0xa5: {  	s2 =	sshll.u32 s25, $0x1;
	[dreg:$0x2] =	wrdreg s0  }
0xa6: {  	[dreg:$0x3] =	wrdreg s2  }
0xa7: {  	[dreg:$0x4] =	wrdreg $0xC0  }
0xa8: {  	_ =	task [dreg:s4], $0x5FFFF  }
0xa9: {  	[dreg:$0x1] =	wrdreg $0xFFFFFFFF  }
0xaa: {  	[dreg:$0x0] =	wrdreg $0x60  }
0xab: {  	[dreg:$0x2] =	wrdreg s22  }
0xac: {  	[dreg:$0x3] =	wrdreg $0x4800  }
0xad: {  	[dreg:$0x4] =	wrdreg $0x9  }
0xae: {  	_ =	task.clear_ibuf [dreg:s4], $0x5FFFF;
	_ =	strace $0x90000046  }
0xaf: {  	s26 =	simm.s32 $0x9;
	_ =	strace $0x80000048  }
0xb0: {  	_ =	swait.ge [sflag:s26], $0x1  }
0xb1: {  	[sflag:s26] =	ssyncadd.s32 $0xFFFFFFFF  }
0xb2: {  	_ =	strace $0x90000048  }
0xb3: {  	_ =	sfence  }
0xb4: {  	s28 =	sld [smem:$0x0];
	_ =	sdelay $0x1  }
0xb5: {  	s29 =	srdreg.scid  }
0xb6: {  	s30 =	sshll.u32 s29, $0xD;
	s31 =	sshrl.u32 s29, $0x2  }
0xb7: {  	s1 =	sand.u32 $0x1, s29;
	s2 =	sand.u32 $0x4000, s30;
	s0 =	sadd.s32 s31, s28  }
0xb8: {  	s1 =	sor.u32 s2, s1;
	s0 =	sshll.u32 s0, $0x11  }
0xb9: {  	s0 =	sor.u32 s0, s1  }
0xba: {  	s0 =	sadd.s32 $0x8F2B, s0  }
0xbb: {  	[sflag:s0] =	ssyncadd.remote.s32 $0x1  }
0xbc: {  	_ =	sfence.sel $0xFFFF  }
0xbd: {  	[dreg:$0x0] =	wrdreg $0xFFFFFFFF;
	(pc) =	sbr.abs _section_cstart, $3  }
0xbe: {  	[dreg:$0x1] =	wrdreg $0xFFFFFFFF  }
0xbf: {  	_ =	task.clear_ibuf [dreg:s4], $0x2FFFF;
	_ =	strace $0x9FFFFFFF  }
0xc0: {  	(tm) =	ssettm $0x7FFFFFFF  }
0xc1: {  	_ =	shalt  }
tec
execute0_lowered:
.L_overlay_start_1:
0x0: {  	(tag) =	ssettag $0x1  }
0x1: {  	s0 =	stileid.u32  }
0x2: {  	s4 =	smul.u32 $0x1C0, s0  }
0x3: {  	s5 =	rddreg [dreg:$0x0]  }
0x4: {  	s2 =	rddreg [dreg:$0x1];
	s6 =	simm.s32 $0x0;
	s3 =	sshrl.u32 s4, $0x3  }
0x5: {  	[smem:$0x7FF] =	sst s6;
	s7 =	sadd.s32 s3, s5  }
0x6: {  	s1 =	rddreg [dreg:$0x2];
	_ =	strace $0x80000047;
	s3 =	sadd.s32 $0x800, s7  }
0x7: {  	[tilespmem:s6], [sflag:$0x1] =	stream.linear.gather [hbm4b:s3+s6], $0x1C0, $0x38;
	[tilespmem:$0x1480] =	vst v63  }
0x8: {  	s3 =	simm.s32 $0x1  }
0x9: {  	_ =	swait.ge [sflag:s3], $0x1C0  }
0xa: {  	s10 =	simm.s32 $0x200;
	s8 =	sshll.u32 s0, $0x9;
	[sflag:s3] =	ssyncset.done $0x0  }
0xb: {  	s9 =	sshll.u32 s0, $0xC;
	s7 =	sadd.s32 $0xC00, s7;
	[sflag:s3] =	ssyncadd.s32 $0xFFFFFE40  }
0xc: {  	[tilespmem:s10], [sflag:$0x1] =	stream.linear.gather [hbm4b:s7+s6], $0x1C0, $0x38;
	[tilespmem:$0x1480] =	vst v63  }
0xd: {  	s24 =	sshll.u32 s0, $0x6;
	s5 =	sadd.s32 s8, s5;
	_ =	swait.ge [sflag:s3], $0x1C0  }
0xe: {  	s23 =	sadd.s32 s9, s2;
	s8 =	sadd.s32 $0x1000, s5;
	[sflag:s3] =	ssyncset.done $0x0  }
0xf: {  	s6 =	sor.u32 $0x1C01, s24;
	s7 =	sshrl.u32 s23, $0x3;
	[sflag:s3] =	ssyncadd.s32 $0xFFFFFE40  }
0x10: {  	[spmem:s7], [sflag:s6] =	dma.local [hbm:s8], $0x200  }
0x11: {  	_ =	swait.ge [sflag:s3], $0x200  }
0x12: {  	[sflag:s3] =	ssyncset.done $0x0  }
0x13: {  	[sflag:s3] =	ssyncadd.s32 $0xFFFFFE00  }
0x14: {  	[bflag:$0x0] =	sbarrier.arrive $0xFFFF  }
0x15: {  	v0 =	vld [tilespmem:$0x200]  }
0x16: {  	v1 =	vld [tilespmem:$0x0];
	_ =	sdelay $0x2  }
0x17: {  	v2 =	vlaneseq.u32  }
0x18: {  	v2 =	vmul.u32 $0xFFFFFFFF, v2;
	v0 =	vshll.u32 v0, $0x8  }
0x19: {  	v3 =	vadd.s32 v1, v0  }
0x1a: {  	v39 =	vmov s4;
	v0 =	vadd.s32 $0x1AAF, v2  }
0x1b: {  	v1 =	vimm.f32 $0.0e+00;
	vm0 =	vlt.u32 v39, v0  }
0x1c: {  	v40 =	vsel vm0, $0x3F800000, v1  }
0x1d: {  	s8 =	simm.s32 $0x400;
	vm0 =	vmmov $0xffff;
	[tilespmem:$0x400] =	vst v40  }
0x1e: {  	[spmem:s2] =	stream.indirect_vreg.scatter.add.f32 [tilespmem:s8], [sflag:$0x1], $0x1, v3, vm0, $0xb8;
	[tilespmem:$0x1480] =	vst v63  }
0x1f: {  	_ =	swait.ge [sflag:s3], $0x10  }
0x20: {  	[sflag:s3] =	ssyncset.done $0x0  }
0x21: {  	[sflag:s3] =	ssyncadd.s32 $0xFFFFFFF0  }
0x22: {  	v41 =	vld [tilespmem:$0x210]  }
0x23: {  	v42 =	vld [tilespmem:$0x10];
	_ =	sdelay $0x3  }
0x24: {  	v2 =	vshll.u32 v41, $0x8  }
0x25: {  	s25 =	sor.u32 $0x10, s4;
	v2 =	vadd.s32 v42, v2  }
0x26: {  	v43 =	vmov s25  }
0x27: {  	vm1 =	vlt.u32 v43, v0  }
0x28: {  	v3 =	vsel vm1, $0x3F800000, v1  }
0x29: {  	[tilespmem:$0x400] =	vst v3  }
0x2a: {  	[spmem:s2] =	stream.indirect_vreg.scatter.add.f32 [tilespmem:s8], [sflag:$0x1], $0x1, v2, vm0, $0xb8;
	[tilespmem:$0x1480] =	vst v63  }
0x2b: {  	_ =	swait.ge [sflag:s3], $0x10  }
0x2c: {  	[sflag:s3] =	ssyncset.done $0x0  }
0x2d: {  	[sflag:s3] =	ssyncadd.s32 $0xFFFFFFF0  }
0x2e: {  	v44 =	vld [tilespmem:$0x220]  }
0x2f: {  	v45 =	vld [tilespmem:$0x20];
	_ =	sdelay $0x3  }
0x30: {  	v2 =	vshll.u32 v44, $0x8  }
0x31: {  	s26 =	sor.u32 $0x20, s4;
	v2 =	vadd.s32 v45, v2  }
0x32: {  	v46 =	vmov s26  }
0x33: {  	vm14 =	vlt.u32 v46, v0  }
0x34: {  	v3 =	vsel vm14, $0x3F800000, v1  }
0x35: {  	[tilespmem:$0x400] =	vst v3  }
0x36: {  	[spmem:s2] =	stream.indirect_vreg.scatter.add.f32 [tilespmem:s8], [sflag:$0x1], $0x1, v2, vm0, $0xb8;
	[tilespmem:$0x1480] =	vst v63  }
0x37: {  	_ =	swait.ge [sflag:s3], $0x10  }
0x38: {  	[sflag:s3] =	ssyncset.done $0x0  }
0x39: {  	[sflag:s3] =	ssyncadd.s32 $0xFFFFFFF0  }
0x3a: {  	v47 =	vld [tilespmem:$0x230]  }
0x3b: {  	v48 =	vld [tilespmem:$0x30];
	_ =	sdelay $0x3  }
0x3c: {  	v2 =	vshll.u32 v47, $0x8  }
0x3d: {  	s28 =	sor.u32 $0x30, s4;
	v2 =	vadd.s32 v48, v2  }
0x3e: {  	v49 =	vmov s28  }
0x3f: {  	vm15 =	vlt.u32 v49, v0  }
0x40: {  	v3 =	vsel vm15, $0x3F800000, v1  }
0x41: {  	[tilespmem:$0x400] =	vst v3  }
0x42: {  	[spmem:s2] =	stream.indirect_vreg.scatter.add.f32 [tilespmem:s8], [sflag:$0x1], $0x1, v2, vm0, $0xb8;
	[tilespmem:$0x1480] =	vst v63  }
0x43: {  	_ =	swait.ge [sflag:s3], $0x10  }
0x44: {  	[sflag:s3] =	ssyncset.done $0x0  }
0x45: {  	[sflag:s3] =	ssyncadd.s32 $0xFFFFFFF0  }
0x46: {  	v50 =	vld [tilespmem:$0x240]  }
0x47: {  	v51 =	vld [tilespmem:$0x40];
	_ =	sdelay $0x3  }
0x48: {  	v2 =	vshll.u32 v50, $0x8  }
0x49: {  	s29 =	sadd.s32 $0x40, s4;
	v2 =	vadd.s32 v51, v2  }
0x4a: {  	v52 =	vmov s29  }
0x4b: {  	vm4 =	vlt.u32 v52, v0  }
0x4c: {  	v3 =	vsel vm4, $0x3F800000, v1  }
0x4d: {  	[tilespmem:$0x400] =	vst v3  }
0x4e: {  	[spmem:s2] =	stream.indirect_vreg.scatter.add.f32 [tilespmem:s8], [sflag:$0x1], $0x1, v2, vm0, $0xb8;
	[tilespmem:$0x1480] =	vst v63  }
0x4f: {  	_ =	swait.ge [sflag:s3], $0x10  }
0x50: {  	[sflag:s3] =	ssyncset.done $0x0  }
0x51: {  	[sflag:s3] =	ssyncadd.s32 $0xFFFFFFF0  }
0x52: {  	v53 =	vld [tilespmem:$0x250]  }
0x53: {  	v54 =	vld [tilespmem:$0x50];
	_ =	sdelay $0x3  }
0x54: {  	v2 =	vshll.u32 v53, $0x8  }
0x55: {  	s30 =	sadd.s32 $0x50, s4;
	v2 =	vadd.s32 v54, v2  }
0x56: {  	v55 =	vmov s30  }
0x57: {  	vm5 =	vlt.u32 v55, v0  }
0x58: {  	v3 =	vsel vm5, $0x3F800000, v1  }
0x59: {  	[tilespmem:$0x400] =	vst v3  }
0x5a: {  	[spmem:s2] =	stream.indirect_vreg.scatter.add.f32 [tilespmem:s8], [sflag:$0x1], $0x1, v2, vm0, $0xb8;
	[tilespmem:$0x1480] =	vst v63  }
0x5b: {  	_ =	swait.ge [sflag:s3], $0x10  }
0x5c: {  	[sflag:s3] =	ssyncset.done $0x0  }
0x5d: {  	[sflag:s3] =	ssyncadd.s32 $0xFFFFFFF0  }
0x5e: {  	v56 =	vld [tilespmem:$0x260]  }
0x5f: {  	v57 =	vld [tilespmem:$0x60];
	_ =	sdelay $0x3  }
0x60: {  	v2 =	vshll.u32 v56, $0x8  }
0x61: {  	s31 =	sadd.s32 $0x60, s4;
	v2 =	vadd.s32 v57, v2  }
0x62: {  	v58 =	vmov s31  }
0x63: {  	vm6 =	vlt.u32 v58, v0  }
0x64: {  	v3 =	vsel vm6, $0x3F800000, v1  }
0x65: {  	[tilespmem:$0x400] =	vst v3  }
0x66: {  	[spmem:s2] =	stream.indirect_vreg.scatter.add.f32 [tilespmem:s8], [sflag:$0x1], $0x1, v2, vm0, $0xb8;
	[tilespmem:$0x1480] =	vst v63  }
0x67: {  	_ =	swait.ge [sflag:s3], $0x10  }
0x68: {  	[sflag:s3] =	ssyncset.done $0x0  }
0x69: {  	[sflag:s3] =	ssyncadd.s32 $0xFFFFFFF0  }
0x6a: {  	v59 =	vld [tilespmem:$0x270]  }
0x6b: {  	v60 =	vld [tilespmem:$0x70];
	_ =	sdelay $0x3  }
0x6c: {  	v2 =	vshll.u32 v59, $0x8  }
0x6d: {  	s10 =	sadd.s32 $0x70, s4;
	v2 =	vadd.s32 v60, v2  }
0x6e: {  	v61 =	vmov s10  }
0x6f: {  	vm7 =	vlt.u32 v61, v0  }
0x70: {  	v3 =	vsel vm7, $0x3F800000, v1  }
0x71: {  	[tilespmem:$0x400] =	vst v3  }
0x72: {  	[spmem:s2] =	stream.indirect_vreg.scatter.add.f32 [tilespmem:s8], [sflag:$0x1], $0x1, v2, vm0, $0xb8;
	[tilespmem:$0x1480] =	vst v63  }
0x73: {  	_ =	swait.ge [sflag:s3], $0x10  }
0x74: {  	[sflag:s3] =	ssyncset.done $0x0  }
0x75: {  	[sflag:s3] =	ssyncadd.s32 $0xFFFFFFF0  }
0x76: {  	v62 =	vld [tilespmem:$0x280]  }
0x77: {  	v63 =	vld [tilespmem:$0x80];
	_ =	sdelay $0x3  }
0x78: {  	v2 =	vshll.u32 v62, $0x8  }
0x79: {  	s11 =	sadd.s32 $0x80, s4;
	v2 =	vadd.s32 v63, v2  }
0x7a: {  	v6 =	vmov s11  }
0x7b: {  	vm8 =	vlt.u32 v6, v0  }
0x7c: {  	v3 =	vsel vm8, $0x3F800000, v1  }
0x7d: {  	[tilespmem:$0x400] =	vst v3  }
0x7e: {  	[spmem:s2] =	stream.indirect_vreg.scatter.add.f32 [tilespmem:s8], [sflag:$0x1], $0x1, v2, vm0, $0xb8;
	[tilespmem:$0x1480] =	vst v63  }
0x7f: {  	_ =	swait.ge [sflag:s3], $0x10  }
0x80: {  	[sflag:s3] =	ssyncset.done $0x0  }
0x81: {  	[sflag:s3] =	ssyncadd.s32 $0xFFFFFFF0  }
0x82: {  	v7 =	vld [tilespmem:$0x290]  }
0x83: {  	v8 =	vld [tilespmem:$0x90];
	_ =	sdelay $0x3  }
0x84: {  	v2 =	vshll.u32 v7, $0x8  }
0x85: {  	s12 =	sadd.s32 $0x90, s4;
	v2 =	vadd.s32 v8, v2  }
0x86: {  	v9 =	vmov s12  }
0x87: {  	vm9 =	vlt.u32 v9, v0  }
0x88: {  	v3 =	vsel vm9, $0x3F800000, v1  }
0x89: {  	[tilespmem:$0x400] =	vst v3  }
0x8a: {  	[spmem:s2] =	stream.indirect_vreg.scatter.add.f32 [tilespmem:s8], [sflag:$0x1], $0x1, v2, vm0, $0xb8;
	[tilespmem:$0x1480] =	vst v63  }
0x8b: {  	_ =	swait.ge [sflag:s3], $0x10  }
0x8c: {  	[sflag:s3] =	ssyncset.done $0x0  }
0x8d: {  	[sflag:s3] =	ssyncadd.s32 $0xFFFFFFF0  }
0x8e: {  	v10 =	vld [tilespmem:$0x2A0]  }
0x8f: {  	v11 =	vld [tilespmem:$0xA0];
	_ =	sdelay $0x3  }
0x90: {  	v2 =	vshll.u32 v10, $0x8  }
0x91: {  	s13 =	sadd.s32 $0xA0, s4;
	v2 =	vadd.s32 v11, v2  }
0x92: {  	v12 =	vmov s13  }
0x93: {  	vm10 =	vlt.u32 v12, v0  }
0x94: {  	v3 =	vsel vm10, $0x3F800000, v1  }
0x95: {  	[tilespmem:$0x400] =	vst v3  }
0x96: {  	[spmem:s2] =	stream.indirect_vreg.scatter.add.f32 [tilespmem:s8], [sflag:$0x1], $0x1, v2, vm0, $0xb8;
	[tilespmem:$0x1480] =	vst v63  }
0x97: {  	_ =	swait.ge [sflag:s3], $0x10  }
0x98: {  	[sflag:s3] =	ssyncset.done $0x0  }
0x99: {  	[sflag:s3] =	ssyncadd.s32 $0xFFFFFFF0  }
0x9a: {  	v13 =	vld [tilespmem:$0x2B0]  }
0x9b: {  	v14 =	vld [tilespmem:$0xB0];
	_ =	sdelay $0x3  }
0x9c: {  	v2 =	vshll.u32 v13, $0x8  }
0x9d: {  	s14 =	sadd.s32 $0xB0, s4;
	v2 =	vadd.s32 v14, v2  }
0x9e: {  	v15 =	vmov s14  }
0x9f: {  	vm11 =	vlt.u32 v15, v0  }
0xa0: {  	v3 =	vsel vm11, $0x3F800000, v1  }
0xa1: {  	[tilespmem:$0x400] =	vst v3  }
0xa2: {  	[spmem:s2] =	stream.indirect_vreg.scatter.add.f32 [tilespmem:s8], [sflag:$0x1], $0x1, v2, vm0, $0xb8;
	[tilespmem:$0x1480] =	vst v63  }
0xa3: {  	_ =	swait.ge [sflag:s3], $0x10  }
0xa4: {  	[sflag:s3] =	ssyncset.done $0x0  }
0xa5: {  	[sflag:s3] =	ssyncadd.s32 $0xFFFFFFF0  }
0xa6: {  	v16 =	vld [tilespmem:$0x2C0]  }
0xa7: {  	v17 =	vld [tilespmem:$0xC0];
	_ =	sdelay $0x3  }
0xa8: {  	v2 =	vshll.u32 v16, $0x8  }
0xa9: {  	s15 =	sadd.s32 $0xC0, s4;
	v2 =	vadd.s32 v17, v2  }
0xaa: {  	v18 =	vmov s15  }
0xab: {  	vm12 =	vlt.u32 v18, v0  }
0xac: {  	v3 =	vsel vm12, $0x3F800000, v1  }
0xad: {  	[tilespmem:$0x400] =	vst v3  }
0xae: {  	[spmem:s2] =	stream.indirect_vreg.scatter.add.f32 [tilespmem:s8], [sflag:$0x1], $0x1, v2, vm0, $0xb8;
	[tilespmem:$0x1480] =	vst v63  }
0xaf: {  	_ =	swait.ge [sflag:s3], $0x10  }
0xb0: {  	[sflag:s3] =	ssyncset.done $0x0  }
0xb1: {  	[sflag:s3] =	ssyncadd.s32 $0xFFFFFFF0  }
0xb2: {  	v19 =	vld [tilespmem:$0x2D0]  }
0xb3: {  	v20 =	vld [tilespmem:$0xD0];
	_ =	sdelay $0x3  }
0xb4: {  	v2 =	vshll.u32 v19, $0x8  }
0xb5: {  	s16 =	sadd.s32 $0xD0, s4;
	v2 =	vadd.s32 v20, v2  }
0xb6: {  	v21 =	vmov s16  }
0xb7: {  	vm13 =	vlt.u32 v21, v0  }
0xb8: {  	v3 =	vsel vm13, $0x3F800000, v1  }
0xb9: {  	[tilespmem:$0x400] =	vst v3  }
0xba: {  	[spmem:s2] =	stream.indirect_vreg.scatter.add.f32 [tilespmem:s8], [sflag:$0x1], $0x1, v2, vm0, $0xb8;
	[tilespmem:$0x1480] =	vst v63  }
0xbb: {  	_ =	swait.ge [sflag:s3], $0x10  }
0xbc: {  	[sflag:s3] =	ssyncset.done $0x0  }
0xbd: {  	[sflag:s3] =	ssyncadd.s32 $0xFFFFFFF0  }
0xbe: {  	v22 =	vld [tilespmem:$0x2E0]  }
0xbf: {  	v23 =	vld [tilespmem:$0xE0];
	_ =	sdelay $0x3  }
0xc0: {  	v2 =	vshll.u32 v22, $0x8  }
0xc1: {  	s17 =	sadd.s32 $0xE0, s4;
	v2 =	vadd.s32 v23, v2  }
0xc2: {  	v24 =	vmov s17  }
0xc3: {  	vm14 =	vlt.u32 v24, v0  }
0xc4: {  	v3 =	vsel vm14, $0x3F800000, v1  }
0xc5: {  	[tilespmem:$0x400] =	vst v3  }
0xc6: {  	[spmem:s2] =	stream.indirect_vreg.scatter.add.f32 [tilespmem:s8], [sflag:$0x1], $0x1, v2, vm0, $0xb8;
	[tilespmem:$0x1480] =	vst v63  }
0xc7: {  	_ =	swait.ge [sflag:s3], $0x10  }
0xc8: {  	[sflag:s3] =	ssyncset.done $0x0  }
0xc9: {  	[sflag:s3] =	ssyncadd.s32 $0xFFFFFFF0  }
0xca: {  	v25 =	vld [tilespmem:$0x2F0]  }
0xcb: {  	v26 =	vld [tilespmem:$0xF0];
	_ =	sdelay $0x3  }
0xcc: {  	v2 =	vshll.u32 v25, $0x8  }
0xcd: {  	s18 =	sadd.s32 $0xF0, s4;
	v2 =	vadd.s32 v26, v2  }
0xce: {  	v27 =	vmov s18  }
0xcf: {  	vm15 =	vlt.u32 v27, v0  }
0xd0: {  	v3 =	vsel vm15, $0x3F800000, v1  }
0xd1: {  	[tilespmem:$0x400] =	vst v3  }
0xd2: {  	[spmem:s2] =	stream.indirect_vreg.scatter.add.f32 [tilespmem:s8], [sflag:$0x1], $0x1, v2, vm0, $0xb8;
	[tilespmem:$0x1480] =	vst v63  }
0xd3: {  	_ =	swait.ge [sflag:s3], $0x10  }
0xd4: {  	[sflag:s3] =	ssyncset.done $0x0  }
0xd5: {  	[sflag:s3] =	ssyncadd.s32 $0xFFFFFFF0  }
0xd6: {  	v28 =	vld [tilespmem:$0x300]  }
0xd7: {  	v29 =	vld [tilespmem:$0x100];
	_ =	sdelay $0x3  }
0xd8: {  	v2 =	vshll.u32 v28, $0x8  }
0xd9: {  	s19 =	sadd.s32 $0x100, s4;
	v2 =	vadd.s32 v29, v2  }
0xda: {  	v30 =	vmov s19  }
0xdb: {  	vm4 =	vlt.u32 v30, v0  }
0xdc: {  	v3 =	vsel vm4, $0x3F800000, v1  }
0xdd: {  	[tilespmem:$0x400] =	vst v3  }
0xde: {  	[spmem:s2] =	stream.indirect_vreg.scatter.add.f32 [tilespmem:s8], [sflag:$0x1], $0x1, v2, vm0, $0xb8;
	[tilespmem:$0x1480] =	vst v63  }
0xdf: {  	_ =	swait.ge [sflag:s3], $0x10  }
0xe0: {  	[sflag:s3] =	ssyncset.done $0x0  }
0xe1: {  	[sflag:s3] =	ssyncadd.s32 $0xFFFFFFF0  }
0xe2: {  	v31 =	vld [tilespmem:$0x310]  }
0xe3: {  	v32 =	vld [tilespmem:$0x110];
	_ =	sdelay $0x3  }
0xe4: {  	v2 =	vshll.u32 v31, $0x8  }
0xe5: {  	s20 =	sadd.s32 $0x110, s4;
	v2 =	vadd.s32 v32, v2  }
0xe6: {  	v33 =	vmov s20  }
0xe7: {  	vm5 =	vlt.u32 v33, v0  }
0xe8: {  	v3 =	vsel vm5, $0x3F800000, v1  }
0xe9: {  	[tilespmem:$0x400] =	vst v3  }
0xea: {  	[spmem:s2] =	stream.indirect_vreg.scatter.add.f32 [tilespmem:s8], [sflag:$0x1], $0x1, v2, vm0, $0xb8;
	[tilespmem:$0x1480] =	vst v63  }
0xeb: {  	_ =	swait.ge [sflag:s3], $0x10  }
0xec: {  	[sflag:s3] =	ssyncset.done $0x0  }
0xed: {  	[sflag:s3] =	ssyncadd.s32 $0xFFFFFFF0  }
0xee: {  	v34 =	vld [tilespmem:$0x320]  }
0xef: {  	v35 =	vld [tilespmem:$0x120];
	_ =	sdelay $0x3  }
0xf0: {  	v2 =	vshll.u32 v34, $0x8  }
0xf1: {  	s21 =	sadd.s32 $0x120, s4;
	v2 =	vadd.s32 v35, v2  }
0xf2: {  	v36 =	vmov s21  }
0xf3: {  	vm6 =	vlt.u32 v36, v0  }
0xf4: {  	v3 =	vsel vm6, $0x3F800000, v1  }
0xf5: {  	[tilespmem:$0x400] =	vst v3  }
0xf6: {  	[spmem:s2] =	stream.indirect_vreg.scatter.add.f32 [tilespmem:s8], [sflag:$0x1], $0x1, v2, vm0, $0xb8;
	[tilespmem:$0x1480] =	vst v63  }
0xf7: {  	_ =	swait.ge [sflag:s3], $0x10  }
0xf8: {  	[sflag:s3] =	ssyncset.done $0x0  }
0xf9: {  	[sflag:s3] =	ssyncadd.s32 $0xFFFFFFF0  }
0xfa: {  	v37 =	vld [tilespmem:$0x330]  }
0xfb: {  	v38 =	vld [tilespmem:$0x130];
	_ =	sdelay $0x3  }
0xfc: {  	v2 =	vshll.u32 v37, $0x8  }
0xfd: {  	s22 =	sadd.s32 $0x130, s4;
	v2 =	vadd.s32 v38, v2  }
0xfe: {  	v39 =	vmov s22  }
0xff: {  	vm7 =	vlt.u32 v39, v0  }
0x100: {  	v3 =	vsel vm7, $0x3F800000, v1  }
0x101: {  	[tilespmem:$0x400] =	vst v3  }
0x102: {  	[spmem:s2] =	stream.indirect_vreg.scatter.add.f32 [tilespmem:s8], [sflag:$0x1], $0x1, v2, vm0, $0xb8;
	[tilespmem:$0x1480] =	vst v63  }
0x103: {  	_ =	swait.ge [sflag:s3], $0x10  }
0x104: {  	[sflag:s3] =	ssyncset.done $0x0  }
0x105: {  	[sflag:s3] =	ssyncadd.s32 $0xFFFFFFF0  }
0x106: {  	v40 =	vld [tilespmem:$0x340]  }
0x107: {  	v41 =	vld [tilespmem:$0x140];
	_ =	sdelay $0x3  }
0x108: {  	v2 =	vshll.u32 v40, $0x8  }
0x109: {  	s23 =	sadd.s32 $0x140, s4;
	v2 =	vadd.s32 v41, v2  }
0x10a: {  	v42 =	vmov s23  }
0x10b: {  	vm8 =	vlt.u32 v42, v0  }
0x10c: {  	v3 =	vsel vm8, $0x3F800000, v1  }
0x10d: {  	[tilespmem:$0x400] =	vst v3  }
0x10e: {  	[spmem:s2] =	stream.indirect_vreg.scatter.add.f32 [tilespmem:s8], [sflag:$0x1], $0x1, v2, vm0, $0xb8;
	[tilespmem:$0x1480] =	vst v63  }
0x10f: {  	_ =	swait.ge [sflag:s3], $0x10  }
0x110: {  	[sflag:s3] =	ssyncset.done $0x0  }
0x111: {  	[sflag:s3] =	ssyncadd.s32 $0xFFFFFFF0  }
0x112: {  	v43 =	vld [tilespmem:$0x350]  }
0x113: {  	v44 =	vld [tilespmem:$0x150];
	_ =	sdelay $0x3  }
0x114: {  	v2 =	vshll.u32 v43, $0x8  }
0x115: {  	s24 =	sadd.s32 $0x150, s4;
	v2 =	vadd.s32 v44, v2  }
0x116: {  	v45 =	vmov s24  }
0x117: {  	vm9 =	vlt.u32 v45, v0  }
0x118: {  	v3 =	vsel vm9, $0x3F800000, v1  }
0x119: {  	[tilespmem:$0x400] =	vst v3  }
0x11a: {  	[spmem:s2] =	stream.indirect_vreg.scatter.add.f32 [tilespmem:s8], [sflag:$0x1], $0x1, v2, vm0, $0xb8;
	[tilespmem:$0x1480] =	vst v63  }
0x11b: {  	_ =	swait.ge [sflag:s3], $0x10  }
0x11c: {  	[sflag:s3] =	ssyncset.done $0x0  }
0x11d: {  	[sflag:s3] =	ssyncadd.s32 $0xFFFFFFF0  }
0x11e: {  	v46 =	vld [tilespmem:$0x360]  }
0x11f: {  	v47 =	vld [tilespmem:$0x160];
	_ =	sdelay $0x3  }
0x120: {  	v2 =	vshll.u32 v46, $0x8  }
0x121: {  	s25 =	sadd.s32 $0x160, s4;
	v2 =	vadd.s32 v47, v2  }
0x122: {  	v48 =	vmov s25  }
0x123: {  	vm10 =	vlt.u32 v48, v0  }
0x124: {  	v3 =	vsel vm10, $0x3F800000, v1  }
0x125: {  	[tilespmem:$0x400] =	vst v3  }
0x126: {  	[spmem:s2] =	stream.indirect_vreg.scatter.add.f32 [tilespmem:s8], [sflag:$0x1], $0x1, v2, vm0, $0xb8;
	[tilespmem:$0x1480] =	vst v63  }
0x127: {  	_ =	swait.ge [sflag:s3], $0x10  }
0x128: {  	[sflag:s3] =	ssyncset.done $0x0  }
0x129: {  	[sflag:s3] =	ssyncadd.s32 $0xFFFFFFF0  }
0x12a: {  	v49 =	vld [tilespmem:$0x370]  }
0x12b: {  	v50 =	vld [tilespmem:$0x170];
	_ =	sdelay $0x3  }
0x12c: {  	v2 =	vshll.u32 v49, $0x8  }
0x12d: {  	s26 =	sadd.s32 $0x170, s4;
	v2 =	vadd.s32 v50, v2  }
0x12e: {  	v51 =	vmov s26  }
0x12f: {  	vm11 =	vlt.u32 v51, v0  }
0x130: {  	v3 =	vsel vm11, $0x3F800000, v1  }
0x131: {  	[tilespmem:$0x400] =	vst v3  }
0x132: {  	[spmem:s2] =	stream.indirect_vreg.scatter.add.f32 [tilespmem:s8], [sflag:$0x1], $0x1, v2, vm0, $0xb8;
	[tilespmem:$0x1480] =	vst v63  }
0x133: {  	_ =	swait.ge [sflag:s3], $0x10  }
0x134: {  	[sflag:s3] =	ssyncset.done $0x0  }
0x135: {  	[sflag:s3] =	ssyncadd.s32 $0xFFFFFFF0  }
0x136: {  	v52 =	vld [tilespmem:$0x380]  }
0x137: {  	v53 =	vld [tilespmem:$0x180];
	_ =	sdelay $0x3  }
0x138: {  	v2 =	vshll.u32 v52, $0x8  }
0x139: {  	s28 =	sadd.s32 $0x180, s4;
	v2 =	vadd.s32 v53, v2  }
0x13a: {  	v54 =	vmov s28  }
0x13b: {  	vm12 =	vlt.u32 v54, v0  }
0x13c: {  	v3 =	vsel vm12, $0x3F800000, v1  }
0x13d: {  	[tilespmem:$0x400] =	vst v3  }
0x13e: {  	[spmem:s2] =	stream.indirect_vreg.scatter.add.f32 [tilespmem:s8], [sflag:$0x1], $0x1, v2, vm0, $0xb8;
	[tilespmem:$0x1480] =	vst v63  }
0x13f: {  	_ =	swait.ge [sflag:s3], $0x10  }
0x140: {  	[sflag:s3] =	ssyncset.done $0x0  }
0x141: {  	[sflag:s3] =	ssyncadd.s32 $0xFFFFFFF0  }
0x142: {  	v55 =	vld [tilespmem:$0x390]  }
0x143: {  	v56 =	vld [tilespmem:$0x190];
	_ =	sdelay $0x3  }
0x144: {  	v2 =	vshll.u32 v55, $0x8  }
0x145: {  	s29 =	sadd.s32 $0x190, s4;
	v2 =	vadd.s32 v56, v2  }
0x146: {  	v57 =	vmov s29  }
0x147: {  	vm13 =	vlt.u32 v57, v0  }
0x148: {  	v3 =	vsel vm13, $0x3F800000, v1  }
0x149: {  	[tilespmem:$0x400] =	vst v3  }
0x14a: {  	[spmem:s2] =	stream.indirect_vreg.scatter.add.f32 [tilespmem:s8], [sflag:$0x1], $0x1, v2, vm0, $0xb8;
	[tilespmem:$0x1480] =	vst v63  }
0x14b: {  	_ =	swait.ge [sflag:s3], $0x10  }
0x14c: {  	[sflag:s3] =	ssyncset.done $0x0  }
0x14d: {  	[sflag:s3] =	ssyncadd.s32 $0xFFFFFFF0  }
0x14e: {  	v58 =	vld [tilespmem:$0x3A0]  }
0x14f: {  	v59 =	vld [tilespmem:$0x1A0];
	_ =	sdelay $0x3  }
0x150: {  	v2 =	vshll.u32 v58, $0x8  }
0x151: {  	s30 =	sadd.s32 $0x1A0, s4;
	v2 =	vadd.s32 v59, v2  }
0x152: {  	v60 =	vmov s30  }
0x153: {  	vm14 =	vlt.u32 v60, v0  }
0x154: {  	v3 =	vsel vm14, $0x3F800000, v1  }
0x155: {  	[tilespmem:$0x400] =	vst v3  }
0x156: {  	[spmem:s2] =	stream.indirect_vreg.scatter.add.f32 [tilespmem:s8], [sflag:$0x1], $0x1, v2, vm0, $0xb8;
	[tilespmem:$0x1480] =	vst v63  }
0x157: {  	_ =	swait.ge [sflag:s3], $0x10  }
0x158: {  	[sflag:s3] =	ssyncset.done $0x0  }
0x159: {  	[sflag:s3] =	ssyncadd.s32 $0xFFFFFFF0  }
0x15a: {  	v61 =	vld [tilespmem:$0x3B0]  }
0x15b: {  	v62 =	vld [tilespmem:$0x1B0];
	_ =	sdelay $0x3  }
0x15c: {  	v2 =	vshll.u32 v61, $0x8  }
0x15d: {  	s4 =	sadd.s32 $0x1B0, s4;
	v2 =	vadd.s32 v62, v2  }
0x15e: {  	v63 =	vmov s4  }
0x15f: {  	vm15 =	vlt.u32 v63, v0  }
0x160: {  	v0 =	vsel vm15, $0x3F800000, v1  }
0x161: {  	[tilespmem:$0x400] =	vst v0  }
0x162: {  	[spmem:s2] =	stream.indirect_vreg.scatter.add.f32 [tilespmem:s8], [sflag:$0x1], $0x1, v2, vm0, $0xb8;
	[tilespmem:$0x1480] =	vst v63  }
0x163: {  	_ =	swait.ge [sflag:s3], $0x10  }
0x164: {  	[sflag:s3] =	ssyncset.done $0x0  }
0x165: {  	[sflag:s3] =	ssyncadd.s32 $0xFFFFFFF0  }
0x166: {  	s31 =	sadd.s32 $0x3000, s5;
	[bflag:$0x0] =	sbarrier.arrive $0xFFFF  }
0x167: {  	[hbm:s31], [sflag:s6] =	dma.local [spmem:s7], $0x200  }
0x168: {  	_ =	swait.ge [sflag:s3], $0x200  }
0x169: {  	[sflag:s3] =	ssyncset.done $0x0  }
0x16a: {  	[sflag:s3] =	ssyncadd.s32 $0xFFFFFE00  }
0x16b: {  	_ =	sfence.sel $0x180000  }
0x16c: {  	[bflag:$0x0] =	sbarrier.arrive $0xFFFF  }
0x16d: {  	p0 =	sne.s32 s0, $0x0;
	_ =	strace $0x90000047  }
0x16e: {  	s0 =	sadd.s32 @!p0 $0x100000, s1;
	[bflag:$0x2] =	sbarrier.arrive $0xFFFF  }
0x16f: {  	[sflag:s0] =	ssyncadd.tile.s32 @!p0 $0x1;
	_ =	shalt  }
.Lfunc_end2:
_tile_overlayer_lowered:
.L_overlay_start_2:
0x170: {  	(tag) =	ssettag $0x2  }
0x171: {  	s0 =	rddreg [dreg:$0x0];
	s2 =	stileid.u32  }
0x172: {  	s1 =	rddreg [dreg:$0x1];
	p0 =	sne.s32 s2, $0x0  }
0x173: {  	s3 =	rddreg [dreg:$0x2];
	[bflag:$0x3] =	sbarrier.arrive $0xFFFF;
	s2 =	simm.s32 @!p0 $0x1C01  }
0x174: {  	[timem:s3], [sflag:s2] =	dma.local @!p0 [hbm:s0], s1  }
0x175: {  	s0 =	simm.s32 @!p0 $0x1  }
0x176: {  	_ =	swait.ge @!p0 [sflag:s0], s1  }
0x177: {  	s1 =	ssub.s32 @!p0 $0x0, s1;
	[sflag:s0] =	ssyncset.done @!p0 $0x0  }
0x178: {  	[sflag:s0] =	ssyncadd.s32 @!p0 s1  }
0x179: {  	[bflag:$0x3] =	sbarrier.arrive $0xFFFF  }
0x17a: {  	_ =	shalt  }

</sc_bundles>
